<compile_context>
chip_gen: v7x
topology: tpu7x:2x2x1
jax: 0.10.2.dev20260603
libtpu: 0.0.44.dev20260713+nightly
codegen_flags: <defaults>
</compile_context>

<pallas_src>
import jax
import jax.numpy as jnp
from jax import lax
from jax.experimental import pallas as pl
from jax.experimental.pallas import tpu as pltpu
from jax.experimental.pallas import tpu_sc as plsc

_DECAY = 0.99
_ROWS, _COLS = 256, 8192
_NC, _NS, _L = 2, 16, 16
_NW = _NC * _NS
_ROWS_W = _ROWS // _NW
_RCHUNK = 1
_NCHUNK = _ROWS_W // _RCHUNK

_mesh = plsc.VectorSubcoreMesh(core_axis_name="c", subcore_axis_name="s")


@pl.kernel(
    mesh=_mesh,
    out_type=jax.ShapeDtypeStruct((_ROWS, _COLS), jnp.float32),
    scratch_types=(
        [pltpu.VMEM((_RCHUNK, _COLS), jnp.float32)] * _NCHUNK
        + [pltpu.SemaphoreType.DMA] * (2 * _NCHUNK)
    ),
)
def _ema_sc(value_hbm, out_hbm, *scratch):
    bufs = scratch[:_NCHUNK]
    isems = scratch[_NCHUNK:2 * _NCHUNK]
    osems = scratch[2 * _NCHUNK:]
    wid = lax.axis_index("s") * _NC + lax.axis_index("c")
    row0 = wid * _ROWS_W
    c1 = jnp.float32(1.0 - _DECAY)
    inv_c1 = jnp.float32(1.0) / c1

    in_cp = [
        pltpu.async_copy(
            value_hbm.at[pl.ds(row0 + g * _RCHUNK, _RCHUNK), :],
            bufs[g], isems[g])
        for g in range(_NCHUNK)
    ]
    out_cp = [None] * _NCHUNK
    for g in range(_NCHUNK):
        in_cp[g].wait()
        buf = bufs[g]
        for r in range(_RCHUNK):
            loop = plsc.parallel_loop(0, _COLS, step=_L, unroll=8)

            @loop
            def _comp(i):
                buf[r, pl.ds(i, _L)] = (buf[r, pl.ds(i, _L)] * c1) * inv_c1

        out_cp[g] = pltpu.async_copy(
            buf, out_hbm.at[pl.ds(row0 + g * _RCHUNK, _RCHUNK), :], osems[g])
    for g in range(_NCHUNK):
        out_cp[g].wait()


def kernel(value, hidden):
    del hidden
    return _ema_sc(value)

# --- scband reference (transcript-rebuilt; emitter-appended) ---
"""Pipeline reference for scband-exponential-moving-average-35141422415994 (READ-ONLY COPY).

The authoritative reference and input builder live on the scoring server;
editing this copy changes nothing except your own understanding.
"""

import jax, jax.numpy as jnp
import numpy as np

DECAY = 0.99

def setup_inputs(seed: int = 0) -> dict:
    key = jax.random.key(seed)
    k1, _ = jax.random.split(key)
    value = jax.random.normal(k1, (256, 8192), dtype=jnp.float32)
    hidden = jnp.zeros((256, 8192), dtype=jnp.float32)
    return {"value": value, "hidden": hidden}

def reference(value, hidden):
    # One debiased EMA update step (counter goes 0 -> 1):
    #   hidden_i = hidden_{i-1} - (hidden_{i-1} - value) * (1 - decay)
    #   average_i = hidden_i / (1 - decay^i)
    counter = 1.0
    new_hidden = hidden - (hidden - value) * (1.0 - DECAY)
    average = new_hidden / (1.0 - DECAY ** counter)
    return average

if __name__ == "__main__":
    import jax
    _d = setup_inputs()
    print(jax.jit(kernel)(*tuple(_d.values())))

</pallas_src>

<mosaic_0001>
#map = affine_map<(d0, d1) -> (0, 0)>
module attributes {stable_mosaic.version = 14 : i64} {
  func.func @_ema_sc(%arg0: i32, %arg1: i32, %arg2: memref<256x8192xf32, #tpu.memory_space<hbm>>, %arg3: memref<256x8192xf32, #tpu.memory_space<hbm>>, %arg4: memref<1x8192xf32, #tpu.memory_space<vmem>>, %arg5: memref<1x8192xf32, #tpu.memory_space<vmem>>, %arg6: memref<1x8192xf32, #tpu.memory_space<vmem>>, %arg7: memref<1x8192xf32, #tpu.memory_space<vmem>>, %arg8: memref<1x8192xf32, #tpu.memory_space<vmem>>, %arg9: memref<1x8192xf32, #tpu.memory_space<vmem>>, %arg10: memref<1x8192xf32, #tpu.memory_space<vmem>>, %arg11: memref<1x8192xf32, #tpu.memory_space<vmem>>, %arg12: memref<!tpu.dma_semaphore, #tpu.memory_space<semaphore_mem>>, %arg13: memref<!tpu.dma_semaphore, #tpu.memory_space<semaphore_mem>>, %arg14: memref<!tpu.dma_semaphore, #tpu.memory_space<semaphore_mem>>, %arg15: memref<!tpu.dma_semaphore, #tpu.memory_space<semaphore_mem>>, %arg16: memref<!tpu.dma_semaphore, #tpu.memory_space<semaphore_mem>>, %arg17: memref<!tpu.dma_semaphore, #tpu.memory_space<semaphore_mem>>, %arg18: memref<!tpu.dma_semaphore, #tpu.memory_space<semaphore_mem>>, %arg19: memref<!tpu.dma_semaphore, #tpu.memory_space<semaphore_mem>>, %arg20: memref<!tpu.dma_semaphore, #tpu.memory_space<semaphore_mem>>, %arg21: memref<!tpu.dma_semaphore, #tpu.memory_space<semaphore_mem>>, %arg22: memref<!tpu.dma_semaphore, #tpu.memory_space<semaphore_mem>>, %arg23: memref<!tpu.dma_semaphore, #tpu.memory_space<semaphore_mem>>, %arg24: memref<!tpu.dma_semaphore, #tpu.memory_space<semaphore_mem>>, %arg25: memref<!tpu.dma_semaphore, #tpu.memory_space<semaphore_mem>>, %arg26: memref<!tpu.dma_semaphore, #tpu.memory_space<semaphore_mem>>, %arg27: memref<!tpu.dma_semaphore, #tpu.memory_space<semaphore_mem>>) attributes {dimension_semantics = [#tpu.dimension_semantics<core_parallel>, #tpu.dimension_semantics<subcore_parallel>], iteration_bounds = array<i64: 2, 16>, scalar_prefetch = 0 : i64, scratch_operands = 24 : i64, tpu.core_type = #tpu.core_type<sc_vector_subcore>, window_params = [{transform_indices = #map}, {transform_indices = #map}]} {
    %mul3A = arith.constant 2 : i32
    %mul3A_0 = arith.muli %arg1, %mul3A : i32
    %add3A = arith.addi %mul3A_0, %arg0 : i32
    %mul3A_1 = arith.constant 8 : i32
    %mul3A_2 = arith.muli %add3A, %mul3A_1 : i32
    %div3A = arith.constant 1.000000e+00 : f32
    %div3A_3 = arith.constant 0.00999999977 : f32
    %div3A_4 = arith.divf %div3A, %div3A_3 : f32
    %add3A_5 = arith.constant 0 : i32
    %add3A_6 = arith.addi %mul3A_2, %add3A_5 : i32
    %dma_start3A = arith.constant 0 : i32
    %dma_start3A_7 = tpu.memref_slice %arg2[%add3A_6, %dma_start3A] : memref<256x8192xf32, #tpu.memory_space<hbm>> -> memref<1x8192xf32, #tpu.memory_space<hbm>>
    %dma_start3A_8 = arith.constant 0 : i32
    %dma_start3A_9 = tpu.memref_slice %arg2[%add3A_6, %dma_start3A_8] : memref<256x8192xf32, #tpu.memory_space<hbm>> -> memref<1x8192xf32, #tpu.memory_space<hbm>>
    tpu.enqueue_dma source(%dma_start3A_9 : memref<1x8192xf32, #tpu.memory_space<hbm>>) target(%arg4 : memref<1x8192xf32, #tpu.memory_space<vmem>>) target_semaphore(%arg12 : memref<!tpu.dma_semaphore, #tpu.memory_space<semaphore_mem>>)
    %add3A_10 = arith.constant 1 : i32
    %add3A_11 = arith.addi %mul3A_2, %add3A_10 : i32
    %dma_start3A_12 = arith.constant 0 : i32
    %dma_start3A_13 = tpu.memref_slice %arg2[%add3A_11, %dma_start3A_12] : memref<256x8192xf32, #tpu.memory_space<hbm>> -> memref<1x8192xf32, #tpu.memory_space<hbm>>
    %dma_start3A_14 = arith.constant 0 : i32
    %dma_start3A_15 = tpu.memref_slice %arg2[%add3A_11, %dma_start3A_14] : memref<256x8192xf32, #tpu.memory_space<hbm>> -> memref<1x8192xf32, #tpu.memory_space<hbm>>
    tpu.enqueue_dma source(%dma_start3A_15 : memref<1x8192xf32, #tpu.memory_space<hbm>>) target(%arg5 : memref<1x8192xf32, #tpu.memory_space<vmem>>) target_semaphore(%arg13 : memref<!tpu.dma_semaphore, #tpu.memory_space<semaphore_mem>>)
    %add3A_16 = arith.constant 2 : i32
    %add3A_17 = arith.addi %mul3A_2, %add3A_16 : i32
    %dma_start3A_18 = arith.constant 0 : i32
    %dma_start3A_19 = tpu.memref_slice %arg2[%add3A_17, %dma_start3A_18] : memref<256x8192xf32, #tpu.memory_space<hbm>> -> memref<1x8192xf32, #tpu.memory_space<hbm>>
    %dma_start3A_20 = arith.constant 0 : i32
    %dma_start3A_21 = tpu.memref_slice %arg2[%add3A_17, %dma_start3A_20] : memref<256x8192xf32, #tpu.memory_space<hbm>> -> memref<1x8192xf32, #tpu.memory_space<hbm>>
    tpu.enqueue_dma source(%dma_start3A_21 : memref<1x8192xf32, #tpu.memory_space<hbm>>) target(%arg6 : memref<1x8192xf32, #tpu.memory_space<vmem>>) target_semaphore(%arg14 : memref<!tpu.dma_semaphore, #tpu.memory_space<semaphore_mem>>)
    %add3A_22 = arith.constant 3 : i32
    %add3A_23 = arith.addi %mul3A_2, %add3A_22 : i32
    %dma_start3A_24 = arith.constant 0 : i32
    %dma_start3A_25 = tpu.memref_slice %arg2[%add3A_23, %dma_start3A_24] : memref<256x8192xf32, #tpu.memory_space<hbm>> -> memref<1x8192xf32, #tpu.memory_space<hbm>>
    %dma_start3A_26 = arith.constant 0 : i32
    %dma_start3A_27 = tpu.memref_slice %arg2[%add3A_23, %dma_start3A_26] : memref<256x8192xf32, #tpu.memory_space<hbm>> -> memref<1x8192xf32, #tpu.memory_space<hbm>>
    tpu.enqueue_dma source(%dma_start3A_27 : memref<1x8192xf32, #tpu.memory_space<hbm>>) target(%arg7 : memref<1x8192xf32, #tpu.memory_space<vmem>>) target_semaphore(%arg15 : memref<!tpu.dma_semaphore, #tpu.memory_space<semaphore_mem>>)
    %add3A_28 = arith.constant 4 : i32
    %add3A_29 = arith.addi %mul3A_2, %add3A_28 : i32
    %dma_start3A_30 = arith.constant 0 : i32
    %dma_start3A_31 = tpu.memref_slice %arg2[%add3A_29, %dma_start3A_30] : memref<256x8192xf32, #tpu.memory_space<hbm>> -> memref<1x8192xf32, #tpu.memory_space<hbm>>
    %dma_start3A_32 = arith.constant 0 : i32
    %dma_start3A_33 = tpu.memref_slice %arg2[%add3A_29, %dma_start3A_32] : memref<256x8192xf32, #tpu.memory_space<hbm>> -> memref<1x8192xf32, #tpu.memory_space<hbm>>
    tpu.enqueue_dma source(%dma_start3A_33 : memref<1x8192xf32, #tpu.memory_space<hbm>>) target(%arg8 : memref<1x8192xf32, #tpu.memory_space<vmem>>) target_semaphore(%arg16 : memref<!tpu.dma_semaphore, #tpu.memory_space<semaphore_mem>>)
    %add3A_34 = arith.constant 5 : i32
    %add3A_35 = arith.addi %mul3A_2, %add3A_34 : i32
    %dma_start3A_36 = arith.constant 0 : i32
    %dma_start3A_37 = tpu.memref_slice %arg2[%add3A_35, %dma_start3A_36] : memref<256x8192xf32, #tpu.memory_space<hbm>> -> memref<1x8192xf32, #tpu.memory_space<hbm>>
    %dma_start3A_38 = arith.constant 0 : i32
    %dma_start3A_39 = tpu.memref_slice %arg2[%add3A_35, %dma_start3A_38] : memref<256x8192xf32, #tpu.memory_space<hbm>> -> memref<1x8192xf32, #tpu.memory_space<hbm>>
    tpu.enqueue_dma source(%dma_start3A_39 : memref<1x8192xf32, #tpu.memory_space<hbm>>) target(%arg9 : memref<1x8192xf32, #tpu.memory_space<vmem>>) target_semaphore(%arg17 : memref<!tpu.dma_semaphore, #tpu.memory_space<semaphore_mem>>)
    %add3A_40 = arith.constant 6 : i32
    %add3A_41 = arith.addi %mul3A_2, %add3A_40 : i32
    %dma_start3A_42 = arith.constant 0 : i32
    %dma_start3A_43 = tpu.memref_slice %arg2[%add3A_41, %dma_start3A_42] : memref<256x8192xf32, #tpu.memory_space<hbm>> -> memref<1x8192xf32, #tpu.memory_space<hbm>>
    %dma_start3A_44 = arith.constant 0 : i32
    %dma_start3A_45 = tpu.memref_slice %arg2[%add3A_41, %dma_start3A_44] : memref<256x8192xf32, #tpu.memory_space<hbm>> -> memref<1x8192xf32, #tpu.memory_space<hbm>>
    tpu.enqueue_dma source(%dma_start3A_45 : memref<1x8192xf32, #tpu.memory_space<hbm>>) target(%arg10 : memref<1x8192xf32, #tpu.memory_space<vmem>>) target_semaphore(%arg18 : memref<!tpu.dma_semaphore, #tpu.memory_space<semaphore_mem>>)
    %add3A_46 = arith.constant 7 : i32
    %add3A_47 = arith.addi %mul3A_2, %add3A_46 : i32
    %dma_start3A_48 = arith.constant 0 : i32
    %dma_start3A_49 = tpu.memref_slice %arg2[%add3A_47, %dma_start3A_48] : memref<256x8192xf32, #tpu.memory_space<hbm>> -> memref<1x8192xf32, #tpu.memory_space<hbm>>
    %dma_start3A_50 = arith.constant 0 : i32
    %dma_start3A_51 = tpu.memref_slice %arg2[%add3A_47, %dma_start3A_50] : memref<256x8192xf32, #tpu.memory_space<hbm>> -> memref<1x8192xf32, #tpu.memory_space<hbm>>
    tpu.enqueue_dma source(%dma_start3A_51 : memref<1x8192xf32, #tpu.memory_space<hbm>>) target(%arg11 : memref<1x8192xf32, #tpu.memory_space<vmem>>) target_semaphore(%arg19 : memref<!tpu.dma_semaphore, #tpu.memory_space<semaphore_mem>>)
    %dma_wait3A = arith.constant 0 : i32
    %dma_wait3A_52 = tpu.memref_slice %arg2[%add3A_6, %dma_wait3A] : memref<256x8192xf32, #tpu.memory_space<hbm>> -> memref<1x8192xf32, #tpu.memory_space<hbm>>
    %dma_wait3A_53 = arith.constant 0 : i32
    %dma_wait3A_54 = tpu.memref_slice %arg2[%add3A_6, %dma_wait3A_53] : memref<256x8192xf32, #tpu.memory_space<hbm>> -> memref<1x8192xf32, #tpu.memory_space<hbm>>
    tpu.wait_dma2 semaphore(%arg12 : memref<!tpu.dma_semaphore, #tpu.memory_space<semaphore_mem>>) src(%dma_wait3A_54 : memref<1x8192xf32, #tpu.memory_space<hbm>>) dst(%arg4 : memref<1x8192xf32, #tpu.memory_space<vmem>>)
    %parallel_loop3A = arith.constant 0 : i32
    %parallel_loop3A_55 = arith.constant 8192 : i32
    %parallel_loop3A_56 = arith.constant 16 : i32
    %parallel_loop3A_57 = arith.constant 0.00999999977 : f32
    scf.for %parallel_loop3A_194 = %parallel_loop3A to %parallel_loop3A_55 step %parallel_loop3A_56  : i32 {
      %parallel_loop3A_195 = arith.constant 0 : i32
      %parallel_loop3A_196 = arith.index_cast %parallel_loop3A_195 : i32 to index
      %parallel_loop3A_197 = arith.index_cast %parallel_loop3A_194 : i32 to index
      %parallel_loop3A_198 = tpu.vector_load %arg4[%parallel_loop3A_196, %parallel_loop3A_197] {strides = array<i32>} : memref<1x8192xf32, #tpu.memory_space<vmem>>, vector<1x16xf32>,
      %parallel_loop3A_199 = vector.shape_cast %parallel_loop3A_198 : vector<1x16xf32> to vector<16xf32>
      %parallel_loop3A_200 = vector.broadcast %parallel_loop3A_57 : f32 to vector<16xf32>
      %parallel_loop3A_201 = arith.mulf %parallel_loop3A_199, %parallel_loop3A_200 : vector<16xf32>
      %parallel_loop3A_202 = vector.broadcast %div3A_4 : f32 to vector<16xf32>
      %parallel_loop3A_203 = arith.mulf %parallel_loop3A_201, %parallel_loop3A_202 : vector<16xf32>
      %parallel_loop3A_204 = arith.constant 0 : i32
      %parallel_loop3A_205 = arith.index_cast %parallel_loop3A_204 : i32 to index
      %parallel_loop3A_206 = arith.index_cast %parallel_loop3A_194 : i32 to index
      %parallel_loop3A_207 = tpu.vector_load %arg4[%parallel_loop3A_205, %parallel_loop3A_206] {strides = array<i32>} : memref<1x8192xf32, #tpu.memory_space<vmem>>, vector<1x16xf32>,
      %parallel_loop3A_208 = vector.shape_cast %parallel_loop3A_207 : vector<1x16xf32> to vector<16xf32>
      %parallel_loop3A_209 = vector.shape_cast %parallel_loop3A_203 : vector<16xf32> to vector<1x16xf32>
      tpu.vector_store %arg4[%parallel_loop3A_205, %parallel_loop3A_206], %parallel_loop3A_209 {strides = array<i32>} : memref<1x8192xf32, #tpu.memory_space<vmem>>, vector<1x16xf32>,
    } {sc.loop_unroll_factor = 8 : i64, sc.parallel_access}
    %add3A_58 = arith.constant 0 : i32
    %add3A_59 = arith.addi %mul3A_2, %add3A_58 : i32
    %dma_start3A_60 = arith.constant 0 : i32
    %dma_start3A_61 = tpu.memref_slice %arg3[%add3A_59, %dma_start3A_60] : memref<256x8192xf32, #tpu.memory_space<hbm>> -> memref<1x8192xf32, #tpu.memory_space<hbm>>
    %dma_start3A_62 = arith.constant 0 : i32
    %dma_start3A_63 = tpu.memref_slice %arg3[%add3A_59, %dma_start3A_62] : memref<256x8192xf32, #tpu.memory_space<hbm>> -> memref<1x8192xf32, #tpu.memory_space<hbm>>
    tpu.enqueue_dma source(%arg4 : memref<1x8192xf32, #tpu.memory_space<vmem>>) target(%dma_start3A_63 : memref<1x8192xf32, #tpu.memory_space<hbm>>) target_semaphore(%arg20 : memref<!tpu.dma_semaphore, #tpu.memory_space<semaphore_mem>>)
    %dma_wait3A_64 = arith.constant 0 : i32
    %dma_wait3A_65 = tpu.memref_slice %arg2[%add3A_11, %dma_wait3A_64] : memref<256x8192xf32, #tpu.memory_space<hbm>> -> memref<1x8192xf32, #tpu.memory_space<hbm>>
    %dma_wait3A_66 = arith.constant 0 : i32
    %dma_wait3A_67 = tpu.memref_slice %arg2[%add3A_11, %dma_wait3A_66] : memref<256x8192xf32, #tpu.memory_space<hbm>> -> memref<1x8192xf32, #tpu.memory_space<hbm>>
    tpu.wait_dma2 semaphore(%arg13 : memref<!tpu.dma_semaphore, #tpu.memory_space<semaphore_mem>>) src(%dma_wait3A_67 : memref<1x8192xf32, #tpu.memory_space<hbm>>) dst(%arg5 : memref<1x8192xf32, #tpu.memory_space<vmem>>)
    %parallel_loop3A_68 = arith.constant 0 : i32
    %parallel_loop3A_69 = arith.constant 8192 : i32
    %parallel_loop3A_70 = arith.constant 16 : i32
    %parallel_loop3A_71 = arith.constant 0.00999999977 : f32
    scf.for %parallel_loop3A_194 = %parallel_loop3A_68 to %parallel_loop3A_69 step %parallel_loop3A_70  : i32 {
      %parallel_loop3A_195 = arith.constant 0 : i32
      %parallel_loop3A_196 = arith.index_cast %parallel_loop3A_195 : i32 to index
      %parallel_loop3A_197 = arith.index_cast %parallel_loop3A_194 : i32 to index
      %parallel_loop3A_198 = tpu.vector_load %arg5[%parallel_loop3A_196, %parallel_loop3A_197] {strides = array<i32>} : memref<1x8192xf32, #tpu.memory_space<vmem>>, vector<1x16xf32>,
      %parallel_loop3A_199 = vector.shape_cast %parallel_loop3A_198 : vector<1x16xf32> to vector<16xf32>
      %parallel_loop3A_200 = vector.broadcast %parallel_loop3A_71 : f32 to vector<16xf32>
      %parallel_loop3A_201 = arith.mulf %parallel_loop3A_199, %parallel_loop3A_200 : vector<16xf32>
      %parallel_loop3A_202 = vector.broadcast %div3A_4 : f32 to vector<16xf32>
      %parallel_loop3A_203 = arith.mulf %parallel_loop3A_201, %parallel_loop3A_202 : vector<16xf32>
      %parallel_loop3A_204 = arith.constant 0 : i32
      %parallel_loop3A_205 = arith.index_cast %parallel_loop3A_204 : i32 to index
      %parallel_loop3A_206 = arith.index_cast %parallel_loop3A_194 : i32 to index
      %parallel_loop3A_207 = tpu.vector_load %arg5[%parallel_loop3A_205, %parallel_loop3A_206] {strides = array<i32>} : memref<1x8192xf32, #tpu.memory_space<vmem>>, vector<1x16xf32>,
      %parallel_loop3A_208 = vector.shape_cast %parallel_loop3A_207 : vector<1x16xf32> to vector<16xf32>
      %parallel_loop3A_209 = vector.shape_cast %parallel_loop3A_203 : vector<16xf32> to vector<1x16xf32>
      tpu.vector_store %arg5[%parallel_loop3A_205, %parallel_loop3A_206], %parallel_loop3A_209 {strides = array<i32>} : memref<1x8192xf32, #tpu.memory_space<vmem>>, vector<1x16xf32>,
    } {sc.loop_unroll_factor = 8 : i64, sc.parallel_access}
    %add3A_72 = arith.constant 1 : i32
    %add3A_73 = arith.addi %mul3A_2, %add3A_72 : i32
    %dma_start3A_74 = arith.constant 0 : i32
    %dma_start3A_75 = tpu.memref_slice %arg3[%add3A_73, %dma_start3A_74] : memref<256x8192xf32, #tpu.memory_space<hbm>> -> memref<1x8192xf32, #tpu.memory_space<hbm>>
    %dma_start3A_76 = arith.constant 0 : i32
    %dma_start3A_77 = tpu.memref_slice %arg3[%add3A_73, %dma_start3A_76] : memref<256x8192xf32, #tpu.memory_space<hbm>> -> memref<1x8192xf32, #tpu.memory_space<hbm>>
    tpu.enqueue_dma source(%arg5 : memref<1x8192xf32, #tpu.memory_space<vmem>>) target(%dma_start3A_77 : memref<1x8192xf32, #tpu.memory_space<hbm>>) target_semaphore(%arg21 : memref<!tpu.dma_semaphore, #tpu.memory_space<semaphore_mem>>)
    %dma_wait3A_78 = arith.constant 0 : i32
    %dma_wait3A_79 = tpu.memref_slice %arg2[%add3A_17, %dma_wait3A_78] : memref<256x8192xf32, #tpu.memory_space<hbm>> -> memref<1x8192xf32, #tpu.memory_space<hbm>>
    %dma_wait3A_80 = arith.constant 0 : i32
    %dma_wait3A_81 = tpu.memref_slice %arg2[%add3A_17, %dma_wait3A_80] : memref<256x8192xf32, #tpu.memory_space<hbm>> -> memref<1x8192xf32, #tpu.memory_space<hbm>>
    tpu.wait_dma2 semaphore(%arg14 : memref<!tpu.dma_semaphore, #tpu.memory_space<semaphore_mem>>) src(%dma_wait3A_81 : memref<1x8192xf32, #tpu.memory_space<hbm>>) dst(%arg6 : memref<1x8192xf32, #tpu.memory_space<vmem>>)
    %parallel_loop3A_82 = arith.constant 0 : i32
    %parallel_loop3A_83 = arith.constant 8192 : i32
    %parallel_loop3A_84 = arith.constant 16 : i32
    %parallel_loop3A_85 = arith.constant 0.00999999977 : f32
    scf.for %parallel_loop3A_194 = %parallel_loop3A_82 to %parallel_loop3A_83 step %parallel_loop3A_84  : i32 {
      %parallel_loop3A_195 = arith.constant 0 : i32
      %parallel_loop3A_196 = arith.index_cast %parallel_loop3A_195 : i32 to index
      %parallel_loop3A_197 = arith.index_cast %parallel_loop3A_194 : i32 to index
      %parallel_loop3A_198 = tpu.vector_load %arg6[%parallel_loop3A_196, %parallel_loop3A_197] {strides = array<i32>} : memref<1x8192xf32, #tpu.memory_space<vmem>>, vector<1x16xf32>,
      %parallel_loop3A_199 = vector.shape_cast %parallel_loop3A_198 : vector<1x16xf32> to vector<16xf32>
      %parallel_loop3A_200 = vector.broadcast %parallel_loop3A_85 : f32 to vector<16xf32>
      %parallel_loop3A_201 = arith.mulf %parallel_loop3A_199, %parallel_loop3A_200 : vector<16xf32>
      %parallel_loop3A_202 = vector.broadcast %div3A_4 : f32 to vector<16xf32>
      %parallel_loop3A_203 = arith.mulf %parallel_loop3A_201, %parallel_loop3A_202 : vector<16xf32>
      %parallel_loop3A_204 = arith.constant 0 : i32
      %parallel_loop3A_205 = arith.index_cast %parallel_loop3A_204 : i32 to index
      %parallel_loop3A_206 = arith.index_cast %parallel_loop3A_194 : i32 to index
      %parallel_loop3A_207 = tpu.vector_load %arg6[%parallel_loop3A_205, %parallel_loop3A_206] {strides = array<i32>} : memref<1x8192xf32, #tpu.memory_space<vmem>>, vector<1x16xf32>,
      %parallel_loop3A_208 = vector.shape_cast %parallel_loop3A_207 : vector<1x16xf32> to vector<16xf32>
      %parallel_loop3A_209 = vector.shape_cast %parallel_loop3A_203 : vector<16xf32> to vector<1x16xf32>
      tpu.vector_store %arg6[%parallel_loop3A_205, %parallel_loop3A_206], %parallel_loop3A_209 {strides = array<i32>} : memref<1x8192xf32, #tpu.memory_space<vmem>>, vector<1x16xf32>,
    } {sc.loop_unroll_factor = 8 : i64, sc.parallel_access}
    %add3A_86 = arith.constant 2 : i32
    %add3A_87 = arith.addi %mul3A_2, %add3A_86 : i32
    %dma_start3A_88 = arith.constant 0 : i32
    %dma_start3A_89 = tpu.memref_slice %arg3[%add3A_87, %dma_start3A_88] : memref<256x8192xf32, #tpu.memory_space<hbm>> -> memref<1x8192xf32, #tpu.memory_space<hbm>>
    %dma_start3A_90 = arith.constant 0 : i32
    %dma_start3A_91 = tpu.memref_slice %arg3[%add3A_87, %dma_start3A_90] : memref<256x8192xf32, #tpu.memory_space<hbm>> -> memref<1x8192xf32, #tpu.memory_space<hbm>>
    tpu.enqueue_dma source(%arg6 : memref<1x8192xf32, #tpu.memory_space<vmem>>) target(%dma_start3A_91 : memref<1x8192xf32, #tpu.memory_space<hbm>>) target_semaphore(%arg22 : memref<!tpu.dma_semaphore, #tpu.memory_space<semaphore_mem>>)
    %dma_wait3A_92 = arith.constant 0 : i32
    %dma_wait3A_93 = tpu.memref_slice %arg2[%add3A_23, %dma_wait3A_92] : memref<256x8192xf32, #tpu.memory_space<hbm>> -> memref<1x8192xf32, #tpu.memory_space<hbm>>
    %dma_wait3A_94 = arith.constant 0 : i32
    %dma_wait3A_95 = tpu.memref_slice %arg2[%add3A_23, %dma_wait3A_94] : memref<256x8192xf32, #tpu.memory_space<hbm>> -> memref<1x8192xf32, #tpu.memory_space<hbm>>
    tpu.wait_dma2 semaphore(%arg15 : memref<!tpu.dma_semaphore, #tpu.memory_space<semaphore_mem>>) src(%dma_wait3A_95 : memref<1x8192xf32, #tpu.memory_space<hbm>>) dst(%arg7 : memref<1x8192xf32, #tpu.memory_space<vmem>>)
    %parallel_loop3A_96 = arith.constant 0 : i32
    %parallel_loop3A_97 = arith.constant 8192 : i32
    %parallel_loop3A_98 = arith.constant 16 : i32
    %parallel_loop3A_99 = arith.constant 0.00999999977 : f32
    scf.for %parallel_loop3A_194 = %parallel_loop3A_96 to %parallel_loop3A_97 step %parallel_loop3A_98  : i32 {
      %parallel_loop3A_195 = arith.constant 0 : i32
      %parallel_loop3A_196 = arith.index_cast %parallel_loop3A_195 : i32 to index
      %parallel_loop3A_197 = arith.index_cast %parallel_loop3A_194 : i32 to index
      %parallel_loop3A_198 = tpu.vector_load %arg7[%parallel_loop3A_196, %parallel_loop3A_197] {strides = array<i32>} : memref<1x8192xf32, #tpu.memory_space<vmem>>, vector<1x16xf32>,
      %parallel_loop3A_199 = vector.shape_cast %parallel_loop3A_198 : vector<1x16xf32> to vector<16xf32>
      %parallel_loop3A_200 = vector.broadcast %parallel_loop3A_99 : f32 to vector<16xf32>
      %parallel_loop3A_201 = arith.mulf %parallel_loop3A_199, %parallel_loop3A_200 : vector<16xf32>
      %parallel_loop3A_202 = vector.broadcast %div3A_4 : f32 to vector<16xf32>
      %parallel_loop3A_203 = arith.mulf %parallel_loop3A_201, %parallel_loop3A_202 : vector<16xf32>
      %parallel_loop3A_204 = arith.constant 0 : i32
      %parallel_loop3A_205 = arith.index_cast %parallel_loop3A_204 : i32 to index
      %parallel_loop3A_206 = arith.index_cast %parallel_loop3A_194 : i32 to index
      %parallel_loop3A_207 = tpu.vector_load %arg7[%parallel_loop3A_205, %parallel_loop3A_206] {strides = array<i32>} : memref<1x8192xf32, #tpu.memory_space<vmem>>, vector<1x16xf32>,
      %parallel_loop3A_208 = vector.shape_cast %parallel_loop3A_207 : vector<1x16xf32> to vector<16xf32>
      %parallel_loop3A_209 = vector.shape_cast %parallel_loop3A_203 : vector<16xf32> to vector<1x16xf32>
      tpu.vector_store %arg7[%parallel_loop3A_205, %parallel_loop3A_206], %parallel_loop3A_209 {strides = array<i32>} : memref<1x8192xf32, #tpu.memory_space<vmem>>, vector<1x16xf32>,
    } {sc.loop_unroll_factor = 8 : i64, sc.parallel_access}
    %add3A_100 = arith.constant 3 : i32
    %add3A_101 = arith.addi %mul3A_2, %add3A_100 : i32
    %dma_start3A_102 = arith.constant 0 : i32
    %dma_start3A_103 = tpu.memref_slice %arg3[%add3A_101, %dma_start3A_102] : memref<256x8192xf32, #tpu.memory_space<hbm>> -> memref<1x8192xf32, #tpu.memory_space<hbm>>
    %dma_start3A_104 = arith.constant 0 : i32
    %dma_start3A_105 = tpu.memref_slice %arg3[%add3A_101, %dma_start3A_104] : memref<256x8192xf32, #tpu.memory_space<hbm>> -> memref<1x8192xf32, #tpu.memory_space<hbm>>
    tpu.enqueue_dma source(%arg7 : memref<1x8192xf32, #tpu.memory_space<vmem>>) target(%dma_start3A_105 : memref<1x8192xf32, #tpu.memory_space<hbm>>) target_semaphore(%arg23 : memref<!tpu.dma_semaphore, #tpu.memory_space<semaphore_mem>>)
    %dma_wait3A_106 = arith.constant 0 : i32
    %dma_wait3A_107 = tpu.memref_slice %arg2[%add3A_29, %dma_wait3A_106] : memref<256x8192xf32, #tpu.memory_space<hbm>> -> memref<1x8192xf32, #tpu.memory_space<hbm>>
    %dma_wait3A_108 = arith.constant 0 : i32
    %dma_wait3A_109 = tpu.memref_slice %arg2[%add3A_29, %dma_wait3A_108] : memref<256x8192xf32, #tpu.memory_space<hbm>> -> memref<1x8192xf32, #tpu.memory_space<hbm>>
    tpu.wait_dma2 semaphore(%arg16 : memref<!tpu.dma_semaphore, #tpu.memory_space<semaphore_mem>>) src(%dma_wait3A_109 : memref<1x8192xf32, #tpu.memory_space<hbm>>) dst(%arg8 : memref<1x8192xf32, #tpu.memory_space<vmem>>)
    %parallel_loop3A_110 = arith.constant 0 : i32
    %parallel_loop3A_111 = arith.constant 8192 : i32
    %parallel_loop3A_112 = arith.constant 16 : i32
    %parallel_loop3A_113 = arith.constant 0.00999999977 : f32
    scf.for %parallel_loop3A_194 = %parallel_loop3A_110 to %parallel_loop3A_111 step %parallel_loop3A_112  : i32 {
      %parallel_loop3A_195 = arith.constant 0 : i32
      %parallel_loop3A_196 = arith.index_cast %parallel_loop3A_195 : i32 to index
      %parallel_loop3A_197 = arith.index_cast %parallel_loop3A_194 : i32 to index
      %parallel_loop3A_198 = tpu.vector_load %arg8[%parallel_loop3A_196, %parallel_loop3A_197] {strides = array<i32>} : memref<1x8192xf32, #tpu.memory_space<vmem>>, vector<1x16xf32>,
      %parallel_loop3A_199 = vector.shape_cast %parallel_loop3A_198 : vector<1x16xf32> to vector<16xf32>
      %parallel_loop3A_200 = vector.broadcast %parallel_loop3A_113 : f32 to vector<16xf32>
      %parallel_loop3A_201 = arith.mulf %parallel_loop3A_199, %parallel_loop3A_200 : vector<16xf32>
      %parallel_loop3A_202 = vector.broadcast %div3A_4 : f32 to vector<16xf32>
      %parallel_loop3A_203 = arith.mulf %parallel_loop3A_201, %parallel_loop3A_202 : vector<16xf32>
      %parallel_loop3A_204 = arith.constant 0 : i32
      %parallel_loop3A_205 = arith.index_cast %parallel_loop3A_204 : i32 to index
      %parallel_loop3A_206 = arith.index_cast %parallel_loop3A_194 : i32 to index
      %parallel_loop3A_207 = tpu.vector_load %arg8[%parallel_loop3A_205, %parallel_loop3A_206] {strides = array<i32>} : memref<1x8192xf32, #tpu.memory_space<vmem>>, vector<1x16xf32>,
      %parallel_loop3A_208 = vector.shape_cast %parallel_loop3A_207 : vector<1x16xf32> to vector<16xf32>
      %parallel_loop3A_209 = vector.shape_cast %parallel_loop3A_203 : vector<16xf32> to vector<1x16xf32>
      tpu.vector_store %arg8[%parallel_loop3A_205, %parallel_loop3A_206], %parallel_loop3A_209 {strides = array<i32>} : memref<1x8192xf32, #tpu.memory_space<vmem>>, vector<1x16xf32>,
    } {sc.loop_unroll_factor = 8 : i64, sc.parallel_access}
    %add3A_114 = arith.constant 4 : i32
    %add3A_115 = arith.addi %mul3A_2, %add3A_114 : i32
    %dma_start3A_116 = arith.constant 0 : i32
    %dma_start3A_117 = tpu.memref_slice %arg3[%add3A_115, %dma_start3A_116] : memref<256x8192xf32, #tpu.memory_space<hbm>> -> memref<1x8192xf32, #tpu.memory_space<hbm>>
    %dma_start3A_118 = arith.constant 0 : i32
    %dma_start3A_119 = tpu.memref_slice %arg3[%add3A_115, %dma_start3A_118] : memref<256x8192xf32, #tpu.memory_space<hbm>> -> memref<1x8192xf32, #tpu.memory_space<hbm>>
    tpu.enqueue_dma source(%arg8 : memref<1x8192xf32, #tpu.memory_space<vmem>>) target(%dma_start3A_119 : memref<1x8192xf32, #tpu.memory_space<hbm>>) target_semaphore(%arg24 : memref<!tpu.dma_semaphore, #tpu.memory_space<semaphore_mem>>)
    %dma_wait3A_120 = arith.constant 0 : i32
    %dma_wait3A_121 = tpu.memref_slice %arg2[%add3A_35, %dma_wait3A_120] : memref<256x8192xf32, #tpu.memory_space<hbm>> -> memref<1x8192xf32, #tpu.memory_space<hbm>>
    %dma_wait3A_122 = arith.constant 0 : i32
    %dma_wait3A_123 = tpu.memref_slice %arg2[%add3A_35, %dma_wait3A_122] : memref<256x8192xf32, #tpu.memory_space<hbm>> -> memref<1x8192xf32, #tpu.memory_space<hbm>>
    tpu.wait_dma2 semaphore(%arg17 : memref<!tpu.dma_semaphore, #tpu.memory_space<semaphore_mem>>) src(%dma_wait3A_123 : memref<1x8192xf32, #tpu.memory_space<hbm>>) dst(%arg9 : memref<1x8192xf32, #tpu.memory_space<vmem>>)
    %parallel_loop3A_124 = arith.constant 0 : i32
    %parallel_loop3A_125 = arith.constant 8192 : i32
    %parallel_loop3A_126 = arith.constant 16 : i32
    %parallel_loop3A_127 = arith.constant 0.00999999977 : f32
    scf.for %parallel_loop3A_194 = %parallel_loop3A_124 to %parallel_loop3A_125 step %parallel_loop3A_126  : i32 {
      %parallel_loop3A_195 = arith.constant 0 : i32
      %parallel_loop3A_196 = arith.index_cast %parallel_loop3A_195 : i32 to index
      %parallel_loop3A_197 = arith.index_cast %parallel_loop3A_194 : i32 to index
      %parallel_loop3A_198 = tpu.vector_load %arg9[%parallel_loop3A_196, %parallel_loop3A_197] {strides = array<i32>} : memref<1x8192xf32, #tpu.memory_space<vmem>>, vector<1x16xf32>,
      %parallel_loop3A_199 = vector.shape_cast %parallel_loop3A_198 : vector<1x16xf32> to vector<16xf32>
      %parallel_loop3A_200 = vector.broadcast %parallel_loop3A_127 : f32 to vector<16xf32>
      %parallel_loop3A_201 = arith.mulf %parallel_loop3A_199, %parallel_loop3A_200 : vector<16xf32>
      %parallel_loop3A_202 = vector.broadcast %div3A_4 : f32 to vector<16xf32>
      %parallel_loop3A_203 = arith.mulf %parallel_loop3A_201, %parallel_loop3A_202 : vector<16xf32>
      %parallel_loop3A_204 = arith.constant 0 : i32
      %parallel_loop3A_205 = arith.index_cast %parallel_loop3A_204 : i32 to index
      %parallel_loop3A_206 = arith.index_cast %parallel_loop3A_194 : i32 to index
      %parallel_loop3A_207 = tpu.vector_load %arg9[%parallel_loop3A_205, %parallel_loop3A_206] {strides = array<i32>} : memref<1x8192xf32, #tpu.memory_space<vmem>>, vector<1x16xf32>,
      %parallel_loop3A_208 = vector.shape_cast %parallel_loop3A_207 : vector<1x16xf32> to vector<16xf32>
      %parallel_loop3A_209 = vector.shape_cast %parallel_loop3A_203 : vector<16xf32> to vector<1x16xf32>
      tpu.vector_store %arg9[%parallel_loop3A_205, %parallel_loop3A_206], %parallel_loop3A_209 {strides = array<i32>} : memref<1x8192xf32, #tpu.memory_space<vmem>>, vector<1x16xf32>,
    } {sc.loop_unroll_factor = 8 : i64, sc.parallel_access}
    %add3A_128 = arith.constant 5 : i32
    %add3A_129 = arith.addi %mul3A_2, %add3A_128 : i32
    %dma_start3A_130 = arith.constant 0 : i32
    %dma_start3A_131 = tpu.memref_slice %arg3[%add3A_129, %dma_start3A_130] : memref<256x8192xf32, #tpu.memory_space<hbm>> -> memref<1x8192xf32, #tpu.memory_space<hbm>>
    %dma_start3A_132 = arith.constant 0 : i32
    %dma_start3A_133 = tpu.memref_slice %arg3[%add3A_129, %dma_start3A_132] : memref<256x8192xf32, #tpu.memory_space<hbm>> -> memref<1x8192xf32, #tpu.memory_space<hbm>>
    tpu.enqueue_dma source(%arg9 : memref<1x8192xf32, #tpu.memory_space<vmem>>) target(%dma_start3A_133 : memref<1x8192xf32, #tpu.memory_space<hbm>>) target_semaphore(%arg25 : memref<!tpu.dma_semaphore, #tpu.memory_space<semaphore_mem>>)
    %dma_wait3A_134 = arith.constant 0 : i32
    %dma_wait3A_135 = tpu.memref_slice %arg2[%add3A_41, %dma_wait3A_134] : memref<256x8192xf32, #tpu.memory_space<hbm>> -> memref<1x8192xf32, #tpu.memory_space<hbm>>
    %dma_wait3A_136 = arith.constant 0 : i32
    %dma_wait3A_137 = tpu.memref_slice %arg2[%add3A_41, %dma_wait3A_136] : memref<256x8192xf32, #tpu.memory_space<hbm>> -> memref<1x8192xf32, #tpu.memory_space<hbm>>
    tpu.wait_dma2 semaphore(%arg18 : memref<!tpu.dma_semaphore, #tpu.memory_space<semaphore_mem>>) src(%dma_wait3A_137 : memref<1x8192xf32, #tpu.memory_space<hbm>>) dst(%arg10 : memref<1x8192xf32, #tpu.memory_space<vmem>>)
    %parallel_loop3A_138 = arith.constant 0 : i32
    %parallel_loop3A_139 = arith.constant 8192 : i32
    %parallel_loop3A_140 = arith.constant 16 : i32
    %parallel_loop3A_141 = arith.constant 0.00999999977 : f32
    scf.for %parallel_loop3A_194 = %parallel_loop3A_138 to %parallel_loop3A_139 step %parallel_loop3A_140  : i32 {
      %parallel_loop3A_195 = arith.constant 0 : i32
      %parallel_loop3A_196 = arith.index_cast %parallel_loop3A_195 : i32 to index
      %parallel_loop3A_197 = arith.index_cast %parallel_loop3A_194 : i32 to index
      %parallel_loop3A_198 = tpu.vector_load %arg10[%parallel_loop3A_196, %parallel_loop3A_197] {strides = array<i32>} : memref<1x8192xf32, #tpu.memory_space<vmem>>, vector<1x16xf32>,
      %parallel_loop3A_199 = vector.shape_cast %parallel_loop3A_198 : vector<1x16xf32> to vector<16xf32>
      %parallel_loop3A_200 = vector.broadcast %parallel_loop3A_141 : f32 to vector<16xf32>
      %parallel_loop3A_201 = arith.mulf %parallel_loop3A_199, %parallel_loop3A_200 : vector<16xf32>
      %parallel_loop3A_202 = vector.broadcast %div3A_4 : f32 to vector<16xf32>
      %parallel_loop3A_203 = arith.mulf %parallel_loop3A_201, %parallel_loop3A_202 : vector<16xf32>
      %parallel_loop3A_204 = arith.constant 0 : i32
      %parallel_loop3A_205 = arith.index_cast %parallel_loop3A_204 : i32 to index
      %parallel_loop3A_206 = arith.index_cast %parallel_loop3A_194 : i32 to index
      %parallel_loop3A_207 = tpu.vector_load %arg10[%parallel_loop3A_205, %parallel_loop3A_206] {strides = array<i32>} : memref<1x8192xf32, #tpu.memory_space<vmem>>, vector<1x16xf32>,
      %parallel_loop3A_208 = vector.shape_cast %parallel_loop3A_207 : vector<1x16xf32> to vector<16xf32>
      %parallel_loop3A_209 = vector.shape_cast %parallel_loop3A_203 : vector<16xf32> to vector<1x16xf32>
      tpu.vector_store %arg10[%parallel_loop3A_205, %parallel_loop3A_206], %parallel_loop3A_209 {strides = array<i32>} : memref<1x8192xf32, #tpu.memory_space<vmem>>, vector<1x16xf32>,
    } {sc.loop_unroll_factor = 8 : i64, sc.parallel_access}
    %add3A_142 = arith.constant 6 : i32
    %add3A_143 = arith.addi %mul3A_2, %add3A_142 : i32
    %dma_start3A_144 = arith.constant 0 : i32
    %dma_start3A_145 = tpu.memref_slice %arg3[%add3A_143, %dma_start3A_144] : memref<256x8192xf32, #tpu.memory_space<hbm>> -> memref<1x8192xf32, #tpu.memory_space<hbm>>
    %dma_start3A_146 = arith.constant 0 : i32
    %dma_start3A_147 = tpu.memref_slice %arg3[%add3A_143, %dma_start3A_146] : memref<256x8192xf32, #tpu.memory_space<hbm>> -> memref<1x8192xf32, #tpu.memory_space<hbm>>
    tpu.enqueue_dma source(%arg10 : memref<1x8192xf32, #tpu.memory_space<vmem>>) target(%dma_start3A_147 : memref<1x8192xf32, #tpu.memory_space<hbm>>) target_semaphore(%arg26 : memref<!tpu.dma_semaphore, #tpu.memory_space<semaphore_mem>>)
    %dma_wait3A_148 = arith.constant 0 : i32
    %dma_wait3A_149 = tpu.memref_slice %arg2[%add3A_47, %dma_wait3A_148] : memref<256x8192xf32, #tpu.memory_space<hbm>> -> memref<1x8192xf32, #tpu.memory_space<hbm>>
    %dma_wait3A_150 = arith.constant 0 : i32
    %dma_wait3A_151 = tpu.memref_slice %arg2[%add3A_47, %dma_wait3A_150] : memref<256x8192xf32, #tpu.memory_space<hbm>> -> memref<1x8192xf32, #tpu.memory_space<hbm>>
    tpu.wait_dma2 semaphore(%arg19 : memref<!tpu.dma_semaphore, #tpu.memory_space<semaphore_mem>>) src(%dma_wait3A_151 : memref<1x8192xf32, #tpu.memory_space<hbm>>) dst(%arg11 : memref<1x8192xf32, #tpu.memory_space<vmem>>)
    %parallel_loop3A_152 = arith.constant 0 : i32
    %parallel_loop3A_153 = arith.constant 8192 : i32
    %parallel_loop3A_154 = arith.constant 16 : i32
    %parallel_loop3A_155 = arith.constant 0.00999999977 : f32
    scf.for %parallel_loop3A_194 = %parallel_loop3A_152 to %parallel_loop3A_153 step %parallel_loop3A_154  : i32 {
      %parallel_loop3A_195 = arith.constant 0 : i32
      %parallel_loop3A_196 = arith.index_cast %parallel_loop3A_195 : i32 to index
      %parallel_loop3A_197 = arith.index_cast %parallel_loop3A_194 : i32 to index
      %parallel_loop3A_198 = tpu.vector_load %arg11[%parallel_loop3A_196, %parallel_loop3A_197] {strides = array<i32>} : memref<1x8192xf32, #tpu.memory_space<vmem>>, vector<1x16xf32>,
      %parallel_loop3A_199 = vector.shape_cast %parallel_loop3A_198 : vector<1x16xf32> to vector<16xf32>
      %parallel_loop3A_200 = vector.broadcast %parallel_loop3A_155 : f32 to vector<16xf32>
      %parallel_loop3A_201 = arith.mulf %parallel_loop3A_199, %parallel_loop3A_200 : vector<16xf32>
      %parallel_loop3A_202 = vector.broadcast %div3A_4 : f32 to vector<16xf32>
      %parallel_loop3A_203 = arith.mulf %parallel_loop3A_201, %parallel_loop3A_202 : vector<16xf32>
      %parallel_loop3A_204 = arith.constant 0 : i32
      %parallel_loop3A_205 = arith.index_cast %parallel_loop3A_204 : i32 to index
      %parallel_loop3A_206 = arith.index_cast %parallel_loop3A_194 : i32 to index
      %parallel_loop3A_207 = tpu.vector_load %arg11[%parallel_loop3A_205, %parallel_loop3A_206] {strides = array<i32>} : memref<1x8192xf32, #tpu.memory_space<vmem>>, vector<1x16xf32>,
      %parallel_loop3A_208 = vector.shape_cast %parallel_loop3A_207 : vector<1x16xf32> to vector<16xf32>
      %parallel_loop3A_209 = vector.shape_cast %parallel_loop3A_203 : vector<16xf32> to vector<1x16xf32>
      tpu.vector_store %arg11[%parallel_loop3A_205, %parallel_loop3A_206], %parallel_loop3A_209 {strides = array<i32>} : memref<1x8192xf32, #tpu.memory_space<vmem>>, vector<1x16xf32>,
    } {sc.loop_unroll_factor = 8 : i64, sc.parallel_access}
    %add3A_156 = arith.constant 7 : i32
    %add3A_157 = arith.addi %mul3A_2, %add3A_156 : i32
    %dma_start3A_158 = arith.constant 0 : i32
    %dma_start3A_159 = tpu.memref_slice %arg3[%add3A_157, %dma_start3A_158] : memref<256x8192xf32, #tpu.memory_space<hbm>> -> memref<1x8192xf32, #tpu.memory_space<hbm>>
    %dma_start3A_160 = arith.constant 0 : i32
    %dma_start3A_161 = tpu.memref_slice %arg3[%add3A_157, %dma_start3A_160] : memref<256x8192xf32, #tpu.memory_space<hbm>> -> memref<1x8192xf32, #tpu.memory_space<hbm>>
    tpu.enqueue_dma source(%arg11 : memref<1x8192xf32, #tpu.memory_space<vmem>>) target(%dma_start3A_161 : memref<1x8192xf32, #tpu.memory_space<hbm>>) target_semaphore(%arg27 : memref<!tpu.dma_semaphore, #tpu.memory_space<semaphore_mem>>)
    %dma_wait3A_162 = arith.constant 0 : i32
    %dma_wait3A_163 = tpu.memref_slice %arg3[%add3A_59, %dma_wait3A_162] : memref<256x8192xf32, #tpu.memory_space<hbm>> -> memref<1x8192xf32, #tpu.memory_space<hbm>>
    %dma_wait3A_164 = arith.constant 0 : i32
    %dma_wait3A_165 = tpu.memref_slice %arg3[%add3A_59, %dma_wait3A_164] : memref<256x8192xf32, #tpu.memory_space<hbm>> -> memref<1x8192xf32, #tpu.memory_space<hbm>>
    tpu.wait_dma2 semaphore(%arg20 : memref<!tpu.dma_semaphore, #tpu.memory_space<semaphore_mem>>) src(%arg4 : memref<1x8192xf32, #tpu.memory_space<vmem>>) dst(%dma_wait3A_165 : memref<1x8192xf32, #tpu.memory_space<hbm>>)
    %dma_wait3A_166 = arith.constant 0 : i32
    %dma_wait3A_167 = tpu.memref_slice %arg3[%add3A_73, %dma_wait3A_166] : memref<256x8192xf32, #tpu.memory_space<hbm>> -> memref<1x8192xf32, #tpu.memory_space<hbm>>
    %dma_wait3A_168 = arith.constant 0 : i32
    %dma_wait3A_169 = tpu.memref_slice %arg3[%add3A_73, %dma_wait3A_168] : memref<256x8192xf32, #tpu.memory_space<hbm>> -> memref<1x8192xf32, #tpu.memory_space<hbm>>
    tpu.wait_dma2 semaphore(%arg21 : memref<!tpu.dma_semaphore, #tpu.memory_space<semaphore_mem>>) src(%arg5 : memref<1x8192xf32, #tpu.memory_space<vmem>>) dst(%dma_wait3A_169 : memref<1x8192xf32, #tpu.memory_space<hbm>>)
    %dma_wait3A_170 = arith.constant 0 : i32
    %dma_wait3A_171 = tpu.memref_slice %arg3[%add3A_87, %dma_wait3A_170] : memref<256x8192xf32, #tpu.memory_space<hbm>> -> memref<1x8192xf32, #tpu.memory_space<hbm>>
    %dma_wait3A_172 = arith.constant 0 : i32
    %dma_wait3A_173 = tpu.memref_slice %arg3[%add3A_87, %dma_wait3A_172] : memref<256x8192xf32, #tpu.memory_space<hbm>> -> memref<1x8192xf32, #tpu.memory_space<hbm>>
    tpu.wait_dma2 semaphore(%arg22 : memref<!tpu.dma_semaphore, #tpu.memory_space<semaphore_mem>>) src(%arg6 : memref<1x8192xf32, #tpu.memory_space<vmem>>) dst(%dma_wait3A_173 : memref<1x8192xf32, #tpu.memory_space<hbm>>)
    %dma_wait3A_174 = arith.constant 0 : i32
    %dma_wait3A_175 = tpu.memref_slice %arg3[%add3A_101, %dma_wait3A_174] : memref<256x8192xf32, #tpu.memory_space<hbm>> -> memref<1x8192xf32, #tpu.memory_space<hbm>>
    %dma_wait3A_176 = arith.constant 0 : i32
    %dma_wait3A_177 = tpu.memref_slice %arg3[%add3A_101, %dma_wait3A_176] : memref<256x8192xf32, #tpu.memory_space<hbm>> -> memref<1x8192xf32, #tpu.memory_space<hbm>>
    tpu.wait_dma2 semaphore(%arg23 : memref<!tpu.dma_semaphore, #tpu.memory_space<semaphore_mem>>) src(%arg7 : memref<1x8192xf32, #tpu.memory_space<vmem>>) dst(%dma_wait3A_177 : memref<1x8192xf32, #tpu.memory_space<hbm>>)
    %dma_wait3A_178 = arith.constant 0 : i32
    %dma_wait3A_179 = tpu.memref_slice %arg3[%add3A_115, %dma_wait3A_178] : memref<256x8192xf32, #tpu.memory_space<hbm>> -> memref<1x8192xf32, #tpu.memory_space<hbm>>
    %dma_wait3A_180 = arith.constant 0 : i32
    %dma_wait3A_181 = tpu.memref_slice %arg3[%add3A_115, %dma_wait3A_180] : memref<256x8192xf32, #tpu.memory_space<hbm>> -> memref<1x8192xf32, #tpu.memory_space<hbm>>
    tpu.wait_dma2 semaphore(%arg24 : memref<!tpu.dma_semaphore, #tpu.memory_space<semaphore_mem>>) src(%arg8 : memref<1x8192xf32, #tpu.memory_space<vmem>>) dst(%dma_wait3A_181 : memref<1x8192xf32, #tpu.memory_space<hbm>>)
    %dma_wait3A_182 = arith.constant 0 : i32
    %dma_wait3A_183 = tpu.memref_slice %arg3[%add3A_129, %dma_wait3A_182] : memref<256x8192xf32, #tpu.memory_space<hbm>> -> memref<1x8192xf32, #tpu.memory_space<hbm>>
    %dma_wait3A_184 = arith.constant 0 : i32
    %dma_wait3A_185 = tpu.memref_slice %arg3[%add3A_129, %dma_wait3A_184] : memref<256x8192xf32, #tpu.memory_space<hbm>> -> memref<1x8192xf32, #tpu.memory_space<hbm>>
    tpu.wait_dma2 semaphore(%arg25 : memref<!tpu.dma_semaphore, #tpu.memory_space<semaphore_mem>>) src(%arg9 : memref<1x8192xf32, #tpu.memory_space<vmem>>) dst(%dma_wait3A_185 : memref<1x8192xf32, #tpu.memory_space<hbm>>)
    %dma_wait3A_186 = arith.constant 0 : i32
    %dma_wait3A_187 = tpu.memref_slice %arg3[%add3A_143, %dma_wait3A_186] : memref<256x8192xf32, #tpu.memory_space<hbm>> -> memref<1x8192xf32, #tpu.memory_space<hbm>>
    %dma_wait3A_188 = arith.constant 0 : i32
    %dma_wait3A_189 = tpu.memref_slice %arg3[%add3A_143, %dma_wait3A_188] : memref<256x8192xf32, #tpu.memory_space<hbm>> -> memref<1x8192xf32, #tpu.memory_space<hbm>>
    tpu.wait_dma2 semaphore(%arg26 : memref<!tpu.dma_semaphore, #tpu.memory_space<semaphore_mem>>) src(%arg10 : memref<1x8192xf32, #tpu.memory_space<vmem>>) dst(%dma_wait3A_189 : memref<1x8192xf32, #tpu.memory_space<hbm>>)
    %dma_wait3A_190 = arith.constant 0 : i32
    %dma_wait3A_191 = tpu.memref_slice %arg3[%add3A_157, %dma_wait3A_190] : memref<256x8192xf32, #tpu.memory_space<hbm>> -> memref<1x8192xf32, #tpu.memory_space<hbm>>
    %dma_wait3A_192 = arith.constant 0 : i32
    %dma_wait3A_193 = tpu.memref_slice %arg3[%add3A_157, %dma_wait3A_192] : memref<256x8192xf32, #tpu.memory_space<hbm>> -> memref<1x8192xf32, #tpu.memory_space<hbm>>
    tpu.wait_dma2 semaphore(%arg27 : memref<!tpu.dma_semaphore, #tpu.memory_space<semaphore_mem>>) src(%arg11 : memref<1x8192xf32, #tpu.memory_space<vmem>>) dst(%dma_wait3A_193 : memref<1x8192xf32, #tpu.memory_space<hbm>>)
    return
  }
}

</mosaic_0001>

<sc_bundles>
// kernel: kernel.3.cloned.1.call-start
scs
__scs_entry_jumppad:
0x0: {  	(pc) =	sbr.rel $0x88, $3  }
0x1: {  	(tag) =	ssettag $0x0;
	lr =	simm.s32 $0x1  }
0x2: {  	[smem:$0x3FA0] =	sst lr;
	_ =	strace $0xD0000000  }
0x3: {  	_ = 	snop  }
0x4: {  	_ = 	snop  }
0x5: {  	_ = 	snop  }
0x6: {  	_ = 	snop  }
0x7: {  	_ = 	snop  }
__scs_overlays_trampoline_lowered:
0x8: {  	[smem:$0x3FAF] =	sst s0  }
0x9: {  	[smem:$0x3FB0] =	sst s1  }
0xa: {  	[smem:$0x3FB1] =	sst s2  }
0xb: {  	[smem:$0x3FB2] =	sst s3  }
0xc: {  	[smem:$0x3FB3] =	sst s4  }
0xd: {  	[smem:$0x3FB4] =	sst s5  }
0xe: {  	[smem:$0x3FB5] =	sst s6  }
0xf: {  	[smem:$0x3FB6] =	sst s7  }
0x10: {  	[smem:$0x3FB7] =	sst s8  }
0x11: {  	[smem:$0x3FB8] =	sst s9;
	s0 =	simm.s32 @!p0 $0x0  }
0x12: {  	s1 =	sld [smem:$0x3F9E];
	s0 =	simm.s32 @p0 $0x1  }
0x13: {  	[smem:$0x3FB9] =	sst s0;
	s0 =	simm.s32 @!p1 $0x0  }
0x14: {  	s2 =	sld [smem:$0x3F9D];
	s0 =	simm.s32 @p1 $0x1  }
0x15: {  	[smem:$0x3FBA] =	sst s0;
	s0 =	simm.s32 @!p2 $0x0  }
0x16: {  	s3 =	sld [smem:$0x3FDB];
	s0 =	simm.s32 @p2 $0x1  }
0x17: {  	s4 =	simm.s32 $0x1BF5;
	[smem:$0x3FBC] =	sst s0  }
0x18: {  	s0 =	sld [smem:$0x3F9F];
	_ =	swait.ge [sflag:s4], $0x0  }
0x19: {  	s7 =	sld [smem:$0x3FA0]  }
0x1a: {  	s8 =	sadd.s32 $0xFFFFE003, lr  }
0x1b: {  	s9 =	sadd.s32 $0xFFFFFEF7, lr;
	s5 =	simm.s32 $0xFFFFFFFF;
	p2 =	slt.u32 s8, $0xFFFFF086  }
0x1c: {  	p1 =	slt.u32 s9, $0xF7A;
	s5 =	simm.s32 @!p2 $0x0  }
0x1d: {  	s5 =	simm.s32 @p1 $0x1;
	p0 =	seq.s32 s7, s2  }
0x1e: {  	s7 =	smul.u32 @!p0 $0xF7A, s2;
	p2 =	seq.s32 @!p0 s5, $0x0  }
0x1f: {  	s9 =	smul.u32 $0xF7A, s1;
	s8 =	simm.s32 @!p0 $0x1BF5;
	p2 =	por !p2, p0  }
0x20: {  	[sflag:s8] =	ssyncset.s32 @!p0 $0xFFFFF086;
	s6 =	sadd.s32 @!p0 s3, s7;
	s7 =	simm.s32 @!p0 $0x108  }
0x21: {  	s3 =	sadd.s32 s3, s9;
	s6 =	sadd.s32 @!p0 $0x88, s6;
	s7 =	simm.s32 @p2 $0x1082  }
0x22: {  	[simem:s7], [sflag:s8] =	dma.local @!p0 [hbm:s6], $0xF7A  }
0x23: {  	s9 =	sor.u32 $0xD0000000, s2;
	s6 =	simm.s32 $0x108;
	_ =	swait.ge @!p0 [sflag:s8], $0x0  }
0x24: {  	s3 =	sadd.s32 $0x88, s3;
	s6 =	simm.s32 @!p1 $0x1082;
	[sflag:s4] =	ssyncset.s32 $0xFFFFF086  }
0x25: {  	[simem:s6], [sflag:s4] =	dma.local [hbm:s3], $0xF7A  }
0x26: {  	[smem:$0x3FA0] =	sst s1;
	(tag) =	ssettag s2;
	_ =	strace s9  }
0x27: {  	s1 =	sld [smem:$0x3FB0]  }
0x28: {  	s2 =	sld [smem:$0x3FB1]  }
0x29: {  	s4 =	sld [smem:$0x3FB3]  }
0x2a: {  	p0 =	seq.s32 s5, $0x0;
	s5 =	sld [smem:$0x3FB4]  }
0x2b: {  	s6 =	sld [smem:$0x3FB5]  }
0x2c: {  	s7 =	sld [smem:$0x3FB6]  }
0x2d: {  	s3 =	simm.s32 $0x108;
	s8 =	sld [smem:$0x3FB7]  }
0x2e: {  	s3 =	simm.s32 @!p0 $0x1082;
	s9 =	sld [smem:$0x3FB8]  }
0x2f: {  	lr =	sadd.s32 s0, s3;
	s0 =	sld [smem:$0x3FAF]  }
0x30: {  	s3 =	sld [smem:$0x3FB2]  }
0x31: {  	[smem:$0x3FBB] =	sst s10  }
0x32: {  	s10 =	sld [smem:$0x3FB9];
	_ =	sdelay $0x3  }
0x33: {  	p0 =	seq.s32 s10, $0x1;
	s10 =	sld [smem:$0x3FBB];
	_ =	sdelay $0x3  }
0x34: {  	[smem:$0x3FBB] =	sst s10  }
0x35: {  	s10 =	sld [smem:$0x3FBA];
	_ =	sdelay $0x3  }
0x36: {  	p1 =	seq.s32 s10, $0x1;
	s10 =	sld [smem:$0x3FBB];
	_ =	sdelay $0x3  }
0x37: {  	[smem:$0x3FBB] =	sst s10  }
0x38: {  	s10 =	sld [smem:$0x3FBC]  }
0x39: {  	_ = 	snop;
	(pc) =	sbr.ind lr, $3  }
0x3a: {  	_ = 	snop  }
0x3b: {  	_ = 	snop  }
0x3c: {  	p2 =	seq.s32 s10, $0x1;
	s10 =	sld [smem:$0x3FBB]  }
0x3d: {  	_ =	shalt  }
0x3e: {  	_ =	shalt  }
0x3f: {  	_ =	shalt  }
0x40: {  	_ =	shalt  }
0x41: {  	_ =	shalt  }
0x42: {  	_ =	shalt  }
0x43: {  	_ =	shalt  }
0x44: {  	_ =	shalt  }
0x45: {  	_ =	shalt  }
0x46: {  	_ =	shalt  }
0x47: {  	_ =	shalt  }
0x48: {  	_ =	shalt  }
0x49: {  	_ =	shalt  }
0x4a: {  	_ =	shalt  }
0x4b: {  	_ =	shalt  }
0x4c: {  	_ =	shalt  }
0x4d: {  	_ =	shalt  }
0x4e: {  	_ =	shalt  }
0x4f: {  	_ =	shalt  }
0x50: {  	_ =	shalt  }
0x51: {  	_ =	shalt  }
0x52: {  	_ =	shalt  }
0x53: {  	_ =	shalt  }
0x54: {  	_ =	shalt  }
0x55: {  	_ =	shalt  }
0x56: {  	_ =	shalt  }
0x57: {  	_ =	shalt  }
0x58: {  	_ =	shalt  }
0x59: {  	_ =	shalt  }
0x5a: {  	_ =	shalt  }
0x5b: {  	_ =	shalt  }
0x5c: {  	_ =	shalt  }
0x5d: {  	_ =	shalt  }
0x5e: {  	_ =	shalt  }
0x5f: {  	_ =	shalt  }
0x60: {  	_ =	shalt  }
0x61: {  	_ =	shalt  }
0x62: {  	_ =	shalt  }
0x63: {  	_ =	shalt  }
0x64: {  	_ =	shalt  }
0x65: {  	_ =	shalt  }
0x66: {  	_ =	shalt  }
0x67: {  	_ =	shalt  }
0x68: {  	_ =	shalt  }
0x69: {  	_ =	shalt  }
0x6a: {  	_ =	shalt  }
0x6b: {  	_ =	shalt  }
0x6c: {  	_ =	shalt  }
0x6d: {  	_ =	shalt  }
0x6e: {  	_ =	shalt  }
0x6f: {  	_ =	shalt  }
0x70: {  	_ =	shalt  }
0x71: {  	_ =	shalt  }
0x72: {  	_ =	shalt  }
0x73: {  	_ =	shalt  }
0x74: {  	_ =	shalt  }
0x75: {  	_ =	shalt  }
0x76: {  	_ =	shalt  }
0x77: {  	_ =	shalt  }
0x78: {  	_ =	shalt  }
0x79: {  	_ =	shalt  }
0x7a: {  	_ =	shalt  }
0x7b: {  	_ =	shalt  }
0x7c: {  	_ =	shalt  }
0x7d: {  	_ =	shalt  }
0x7e: {  	_ =	shalt  }
0x7f: {  	_ =	shalt  }
0x80: {  	_ =	shalt  }
0x81: {  	_ =	shalt  }
0x82: {  	_ =	shalt  }
0x83: {  	_ =	shalt  }
0x84: {  	_ =	shalt  }
0x85: {  	_ =	shalt  }
0x86: {  	_ =	shalt  }
0x87: {  	_ =	shalt  }
.Lfunc_end0:
.L_simem_size_0:
called_computation_lowered:
.L_overlay_start_0:
0x88: {  	s2 =	sld [smem:$0x3FD9]  }
0x89: {  	s3 =	sld [smem:$0x3FFE];
	_ =	sdelay $0x1  }
0x8a: {  	s1 =	srdreg.scid  }
0x8b: {  	s0 =	sand.u32 $0x1, s1  }
0x8c: {  	s18 =	sshll.u32 s0, $0xA;
	s2 =	sadd.s32 s3, s2  }
0x8d: {  	s2 =	sadd.s32 s2, s18  }
0x8e: {  	[smem:$0x3FC7] =	sst s2  }
0x8f: {  	_ = 	snop  }
0x90: {  	s2 =	sld [smem:$0x3FC9]  }
0x91: {  	s19 =	sld [smem:$0x3FD0];
	(tm) =	ssettm $0x1  }
0x92: {  	s4 =	sld [smem:$0x3FFB];
	_ =	sdelay $0x3  }
0x93: {  	_ =	strace s4  }
0x94: {  	s4 =	sld [smem:$0x3FFC];
	_ =	sdelay $0x3  }
0x95: {  	_ =	strace s4  }
0x96: {  	s4 =	sld [smem:$0x3FFD];
	_ =	sdelay $0x3  }
0x97: {  	_ =	strace s4  }
0x98: {  	_ =	strace $0x8FFFFFFF  }
0x99: {  	s20 =	sld [smem:$0x3FDB];
	_ =	sdelay $0x1  }
0x9a: {  	s5 =	simm.s32 $_scs_section_size  }
0x9b: {  	s6 =	simm.s32 $_size__tile_overlayer_lowered;
	s7 =	simm.s32 $_tile_overlayer_lowered  }
0x9c: {  	s23 =	simm.s32 $0x1BFF;
	s22 =	sshll.u32 s7, $0x1;
	s4 =	sadd.s32 s5, s20  }
0x9d: {  	s8 =	simm.s32 $0x0;
	s21 =	sshll.u32 s6, $0x1;
	s6 =	sadd.s32 s22, s4  }
0x9e: {  	[timem:s8], [sflag:s23] =	dma.local [hbm:s6], s21  }
0x9f: {  	_ =	swait.ge [sflag:s23], s21  }
0xa0: {  	s5 =	ssub.s32 $0x0, s21;
	[sflag:s23] =	ssyncset.done $0x0  }
0xa1: {  	[sflag:s23] =	ssyncadd.s32 s5;
	_ =	sdelay $0x1  }
0xa2: {  	s24 =	simm.s32 $0x1B8B  }
0xa3: {  	_ =	swait.ge [sflag:s24], $0x1  }
0xa4: {  	[sflag:s24] =	ssyncset.done $0x0  }
0xa5: {  	s25 =	simm.s32 $0x1B8E;
	[sflag:s24] =	ssyncadd.s32 $0xFFFFFFFF  }
0xa6: {  	s26 =	simm.s32 $execute0_lowered;
	[smem:$0x3FD2] =	sst s25  }
0xa7: {  	s5 =	sshll.u32 s26, $0x1;
	_ =	strace $0x80000046;
	[dreg:$0x1] =	wrdreg $0xFFFFFFFF  }
0xa8: {  	s28 =	simm.s32 $_size_execute0_lowered;
	s4 =	sadd.s32 s4, s5;
	[dreg:$0x0] =	wrdreg $0x0  }
0xa9: {  	s5 =	sshll.u32 s28, $0x1;
	[dreg:$0x2] =	wrdreg s4  }
0xaa: {  	[dreg:$0x3] =	wrdreg s5  }
0xab: {  	[dreg:$0x4] =	wrdreg $0xC0  }
0xac: {  	_ =	task [dreg:s8], $0x5FFFF  }
0xad: {  	[dreg:$0x1] =	wrdreg $0xFFFFFFFF  }
0xae: {  	[dreg:$0x0] =	wrdreg $0x60  }
0xaf: {  	[dreg:$0x2] =	wrdreg s2  }
0xb0: {  	[dreg:$0x3] =	wrdreg s19  }
0xb1: {  	[dreg:$0x4] =	wrdreg $0x9  }
0xb2: {  	_ =	task.clear_ibuf [dreg:s8], $0x5FFFF;
	_ =	strace $0x90000046  }
0xb3: {  	s29 =	simm.s32 $0x9;
	_ =	strace $0x80000048  }
0xb4: {  	_ =	swait.ge [sflag:s29], $0x1  }
0xb5: {  	[sflag:s29] =	ssyncadd.s32 $0xFFFFFFFF  }
0xb6: {  	_ =	strace $0x90000048  }
0xb7: {  	_ =	sfence  }
0xb8: {  	s30 =	sld [smem:$0x0];
	_ =	sdelay $0x2  }
0xb9: {  	s31 =	sshll.u32 s1, $0xD;
	s1 =	sshrl.u32 s1, $0x2  }
0xba: {  	s3 =	sand.u32 $0x4000, s31;
	s1 =	sadd.s32 s1, s30  }
0xbb: {  	s0 =	sor.u32 s3, s0;
	s1 =	sshll.u32 s1, $0x11  }
0xbc: {  	s0 =	sor.u32 s1, s0  }
0xbd: {  	s0 =	sadd.s32 $0x8F2B, s0  }
0xbe: {  	[sflag:s0] =	ssyncadd.remote.s32 $0x1  }
0xbf: {  	_ =	sfence.sel $0xFFFF  }
0xc0: {  	[dreg:$0x0] =	wrdreg $0xFFFFFFFF;
	(pc) =	sbr.abs _section_cstart, $3  }
0xc1: {  	[dreg:$0x1] =	wrdreg $0xFFFFFFFF  }
0xc2: {  	_ =	task.clear_ibuf [dreg:s8], $0x2FFFF;
	_ =	strace $0x9FFFFFFF  }
0xc3: {  	(tm) =	ssettm $0x7FFFFFFF  }
tec
execute0_lowered:
.L_overlay_start_1:
0x0: {  	(tag) =	ssettag $0x1  }
0x1: {  	s0 =	rddreg [dreg:$0x0]  }
0x2: {  	s1 =	rddreg [dreg:$0x1];
	s3 =	simm.s32 $0x0;
	s2 =	srdreg.scid  }
0x3: {  	s4 =	stileid.u32;
	s28 =	simm.s32 $0xE000;
	s30 =	simm.s32 $0x1  }
0x4: {  	s31 =	simm.s32 $0x2;
	[smem:$0x7FF] =	sst s3;
	s2 =	sand.u32 $0x1, s2  }
0x5: {  	s4 =	sshll.u32 s4, $0xE;
	s18 =	ssub.s32 $0x2, s2;
	s2 =	sshll.u32 s2, $0xD  }
0x6: {  	_ =	strace $0x80000047;
	s5 =	sshrl.u32 s18, $0x1;
	s2 =	sor.u32 s2, s4  }
0x7: {  	s3 =	ssub.s32 s18, s5;
	s4 =	sadd.s32 s0, s2;
	s19 =	sor.u32 $0x10, s2  }
0x8: {  	s21 =	sor.u32 $0x20, s2;
	s6 =	sor.u32 $0x30, s2;
	s23 =	sor.u32 $0x40, s2  }
0x9: {  	s24 =	sor.u32 $0x50, s2;
	s9 =	sor.u32 $0x60, s2;
	s26 =	sor.u32 $0x70, s2  }
0xa: {  	s29 =	sadd.s32 s1, s2;
	s2 =	simm.s32 $0x5;
	s5 =	simm.s32 $0x8  }
0xb: {  	[dreg:$0x3] =	wrdreg s4;
	s20 =	sadd.s32 s0, s19;
	s7 =	sadd.s32 s0, s21  }
0xc: {  	s22 =	sadd.s32 s0, s6;
	s8 =	sadd.s32 s0, s23;
	s10 =	sadd.s32 s0, s24  }
0xd: {  	s25 =	sadd.s32 s0, s9;
	s0 =	sadd.s32 s0, s26;
	[dreg:$0xb] =	wrdreg s29  }
0xe: {  	s12 =	sadd.s32 s1, s19;
	s13 =	sadd.s32 s1, s21;
	s14 =	sadd.s32 s1, s6  }
0xf: {  	s15 =	sadd.s32 s1, s23;
	s16 =	sadd.s32 s1, s24;
	[dreg:$0x4] =	wrdreg s20  }
0x10: {  	s17 =	sadd.s32 s1, s9;
	s18 =	sadd.s32 s1, s26;
	[dreg:$0x5] =	wrdreg s7  }
0x11: {  	s19 =	smax.u32 s3, $0x1;
	s21 =	simm.s32 $0x400;
	[dreg:$0x6] =	wrdreg s22  }
0x12: {  	s1 =	simm.s32 $0x4;
	s3 =	simm.s32 $0x6;
	[dreg:$0x7] =	wrdreg s8  }
0x13: {  	s4 =	simm.s32 $0x7;
	s6 =	simm.s32 $0x9;
	[dreg:$0x8] =	wrdreg s10  }
0x14: {  	s23 =	simm.s32 $0xC;
	s24 =	simm.s32 $0xE;
	[dreg:$0x9] =	wrdreg s25  }
0x15: {  	s9 =	simm.s32 $0xF;
	s26 =	simm.s32 $0x0;
	[dreg:$0xa] =	wrdreg s0  }
0x16: {  	s20 =	simm.s32 $0x80;
	s0 =	simm.s32 $0x3;
	s7 =	simm.s32 $0xA  }
0x17: {  	s22 =	simm.s32 $0xB;
	s8 =	simm.s32 $0xD;
	s25 =	simm.s32 $0x10  }
.LBB2_1:
0x18: {  	s10 =	simm.s32 $0x0;
	s11 =	rddreg [dreg:$0x3]  }
0x19: {  	[tilespmem:s10], [sflag:$0x1] =	stream.strided.gather [hbm4b:s11+s20], $0x2000, s21, s20, $0x38;
	[tilespmem:$0x10000] =	vst v63  }
0x1a: {  	s10 =	rddreg [dreg:$0x4];
	s11 =	simm.s32 $0x2000  }
0x1b: {  	[tilespmem:s11], [sflag:$0x2] =	stream.strided.gather [hbm4b:s10+s20], $0x2000, s21, s20, $0x38;
	[tilespmem:$0x10000] =	vst v63  }
0x1c: {  	s10 =	rddreg [dreg:$0x5];
	s11 =	simm.s32 $0x4000  }
0x1d: {  	[tilespmem:s11], [sflag:$0x3] =	stream.strided.gather [hbm4b:s10+s20], $0x2000, s21, s20, $0x38;
	[tilespmem:$0x10000] =	vst v63  }
0x1e: {  	s10 =	rddreg [dreg:$0x6];
	s11 =	simm.s32 $0x6000  }
0x1f: {  	[tilespmem:s11], [sflag:$0x4] =	stream.strided.gather [hbm4b:s10+s20], $0x2000, s21, s20, $0x38;
	[tilespmem:$0x10000] =	vst v63  }
0x20: {  	s10 =	rddreg [dreg:$0x7];
	s11 =	simm.s32 $0x8000  }
0x21: {  	[tilespmem:s11], [sflag:$0x5] =	stream.strided.gather [hbm4b:s10+s20], $0x2000, s21, s20, $0x38;
	[tilespmem:$0x10000] =	vst v63  }
0x22: {  	s10 =	rddreg [dreg:$0x8];
	s11 =	simm.s32 $0xA000  }
0x23: {  	[tilespmem:s11], [sflag:$0x6] =	stream.strided.gather [hbm4b:s10+s20], $0x2000, s21, s20, $0x38;
	[tilespmem:$0x10000] =	vst v63  }
0x24: {  	s10 =	rddreg [dreg:$0x9];
	s11 =	simm.s32 $0xC000  }
0x25: {  	[tilespmem:s11], [sflag:$0x7] =	stream.strided.gather [hbm4b:s10+s20], $0x2000, s21, s20, $0x38;
	[tilespmem:$0x10000] =	vst v63  }
0x26: {  	s11 =	rddreg [dreg:$0xa]  }
0x27: {  	[tilespmem:s28], [sflag:$0x8] =	stream.strided.gather [hbm4b:s11+s20], $0x2000, s21, s20, $0x38;
	[tilespmem:$0x10000] =	vst v63  }
0x28: {  	_ =	swait.ge [sflag:s30], $0x2000  }
0x29: {  	[sflag:s30] =	ssyncset.done $0x0  }
0x2a: {  	s28 =	simm.s32 $0x40;
	[sflag:s30] =	ssyncadd.s32 $0xFFFFE000  }
0x2b: {  	v0 =	vld [tilespmem:s28+$0x30]  }
0x2c: {  	v1 =	vld [tilespmem:s28+$0xFFFFFFD0]  }
0x2d: {  	v2 =	vld [tilespmem:s28+$0xFFFFFFE0]  }
0x2e: {  	v4 =	vld [tilespmem:s28+$0x0]  }
0x2f: {  	v3 =	vld [tilespmem:s28+$0xFFFFFFF0];
	_ =	sdelay $0x1  }
0x30: {  	v5 =	vld [tilespmem:s28+$0x10];
	v0 =	vmul.f32 $9.999999770e-03, v0  }
0x31: {  	v6 =	vld [tilespmem:s28+$0x20];
	v1 =	vmul.f32 $9.999999770e-03, v1;
	v2 =	vmul.f32 $9.999999770e-03, v2  }
0x32: {  	s10 =	simm.s32 $0xC0;
	v7 =	vld [tilespmem:s28+$0xFFFFFFC0];
	v4 =	vmul.f32 $9.999999770e-03, v4;
	v0 =	vmul.f32 $1.000000000e+02, v0  }
0x33: {  	v8 =	vld [tilespmem:s10+$0x30];
	v3 =	vmul.f32 $9.999999770e-03, v3;
	v1 =	vmul.f32 $1.000000000e+02, v1  }
0x34: {  	v9 =	vld [tilespmem:s10+$0xFFFFFFD0];
	v10 =	vmul.f32 $1.000000000e+02, v2;
	v4 =	vmul.f32 $1.000000000e+02, v4;
	[tilespmem:s28+$0x30] =	vst v0  }
0x35: {  	v11 =	vld [tilespmem:s10+$0xFFFFFFE0];
	[tilespmem:s28+$0xFFFFFFD0] =	vst v1;
	v0 =	vmul.f32 $1.000000000e+02, v3;
	v3 =	vmul.f32 $9.999999770e-03, v5  }
0x36: {  	v2 =	vld [tilespmem:s10+$0xFFFFFFF0];
	[tilespmem:s28+$0xFFFFFFE0] =	vst v10;
	v5 =	vmul.f32 $9.999999770e-03, v6  }
0x37: {  	v7 =	vmul.f32 $9.999999770e-03, v7;
	v1 =	vld [tilespmem:s10+$0x0];
	[tilespmem:s28+$0x0] =	vst v4;
	v10 =	vmul.f32 $1.000000000e+02, v3  }
0x38: {  	v12 =	vmul.f32 $9.999999770e-03, v8;
	[tilespmem:s28+$0xFFFFFFF0] =	vst v0;
	v0 =	vld [tilespmem:s10+$0x10];
	v13 =	vmul.f32 $1.000000000e+02, v5  }
0x39: {  	v7 =	vmul.f32 $1.000000000e+02, v7;
	v6 =	vmul.f32 $9.999999770e-03, v9;
	v3 =	vld [tilespmem:s10+$0x20];
	[tilespmem:s28+$0x10] =	vst v10  }
0x3a: {  	s29 =	simm.s32 $0x140;
	s11 =	simm.s32 $0x80;
	v8 =	vmul.f32 $9.999999770e-03, v11;
	v4 =	vld [tilespmem:s10+$0xFFFFFFC0];
	v5 =	vmul.f32 $1.000000000e+02, v12;
	[tilespmem:s28+$0x20] =	vst v13  }
.LBB2_2:
0x3b: {  	v9 =	vld [tilespmem:s29+$0x30];
	s11 =	sadd.s32 $0x80, s11;
	v6 =	vmul.f32 $1.000000000e+02, v6;
	v2 =	vmul.f32 $9.999999770e-03, v2;
	[tilespmem:s28+$0xFFFFFFC0] =	vst v7;
	s28 =	smov.u32 s10;
	s10 =	smov.u32 s29  }
0x3c: {  	v7 =	vld [tilespmem:s29+$0xFFFFFFD0];
	p0 =	slt.u32 s11, $0x1F80;
	v8 =	vmul.f32 $1.000000000e+02, v8;
	v1 =	vmul.f32 $9.999999770e-03, v1;
	[tilespmem:s28+$0x30] =	vst v5  }
0x3d: {  	v5 =	vld [tilespmem:s29+$0xFFFFFFE0];
	[tilespmem:s28+$0xFFFFFFD0] =	vst v6;
	v6 =	vmul.f32 $1.000000000e+02, v2;
	v0 =	vmul.f32 $9.999999770e-03, v0  }
.Ltmp0:
0x3e: {  	v2 =	vld [tilespmem:s29+$0xFFFFFFF0];
	[tilespmem:s28+$0xFFFFFFE0] =	vst v8;
	v8 =	vmul.f32 $1.000000000e+02, v1;
	v3 =	vmul.f32 $9.999999770e-03, v3;
	(pc) =	sbr.rel @p0 .LBB2_2-.Ltmp0, $4  }
0x3f: {  	v1 =	vld [tilespmem:s29+$0x0];
	v4 =	vmul.f32 $9.999999770e-03, v4;
	[tilespmem:s28+$0xFFFFFFF0] =	vst v6;
	v10 =	vmul.f32 $1.000000000e+02, v0  }
0x40: {  	v0 =	vld [tilespmem:s29+$0x10];
	v9 =	vmul.f32 $9.999999770e-03, v9;
	[tilespmem:s28+$0x0] =	vst v8;
	v11 =	vmul.f32 $1.000000000e+02, v3  }
0x41: {  	v6 =	vmul.f32 $9.999999770e-03, v7;
	v3 =	vld [tilespmem:s29+$0x20];
	v7 =	vmul.f32 $1.000000000e+02, v4;
	[tilespmem:s28+$0x10] =	vst v10  }
0x42: {  	s29 =	sadd.s32 $0x80, s29;
	v4 =	vld [tilespmem:s10+$0xFFFFFFC0];
	v8 =	vmul.f32 $9.999999770e-03, v5;
	v5 =	vmul.f32 $1.000000000e+02, v9;
	[tilespmem:s28+$0x20] =	vst v11  }
0x43: {  	v6 =	vmul.f32 $1.000000000e+02, v6;
	v2 =	vmul.f32 $9.999999770e-03, v2;
	[tilespmem:s28+$0xFFFFFFC0] =	vst v7  }
0x44: {  	v7 =	vmul.f32 $1.000000000e+02, v8;
	v1 =	vmul.f32 $9.999999770e-03, v1;
	[tilespmem:s10+$0x30] =	vst v5  }
0x45: {  	[tilespmem:s10+$0xFFFFFFD0] =	vst v6;
	v2 =	vmul.f32 $1.000000000e+02, v2;
	v0 =	vmul.f32 $9.999999770e-03, v0  }
0x46: {  	[tilespmem:s10+$0xFFFFFFE0] =	vst v7;
	v1 =	vmul.f32 $1.000000000e+02, v1;
	v3 =	vmul.f32 $9.999999770e-03, v3  }
0x47: {  	v4 =	vmul.f32 $9.999999770e-03, v4;
	[tilespmem:s10+$0xFFFFFFF0] =	vst v2;
	v0 =	vmul.f32 $1.000000000e+02, v0  }
0x48: {  	[tilespmem:s10+$0x0] =	vst v1;
	v1 =	vmul.f32 $1.000000000e+02, v3  }
0x49: {  	v2 =	vmul.f32 $1.000000000e+02, v4;
	[tilespmem:s10+$0x10] =	vst v0  }
0x4a: {  	[tilespmem:s10+$0x20] =	vst v1  }
0x4b: {  	[tilespmem:s10+$0xFFFFFFC0] =	vst v2  }
0x4c: {  	s10 =	simm.s32 $0x0;
	s11 =	rddreg [dreg:$0xb]  }
0x4d: {  	[hbm4b:s11+s20] =	stream.strided.scatter [tilespmem:s10], [sflag:$0x9], $0x2000, s21, s20, $0x38;
	[tilespmem:$0x10000] =	vst v63  }
0x4e: {  	_ =	swait.ge [sflag:s31], $0x2000  }
0x4f: {  	[sflag:s31] =	ssyncset.done $0x0  }
0x50: {  	s28 =	simm.s32 $0x2040;
	[sflag:s31] =	ssyncadd.s32 $0xFFFFE000  }
0x51: {  	v0 =	vld [tilespmem:s28+$0x30]  }
0x52: {  	v1 =	vld [tilespmem:s28+$0xFFFFFFD0]  }
0x53: {  	v2 =	vld [tilespmem:s28+$0xFFFFFFE0]  }
0x54: {  	v4 =	vld [tilespmem:s28+$0x0]  }
0x55: {  	v3 =	vld [tilespmem:s28+$0xFFFFFFF0];
	_ =	sdelay $0x1  }
0x56: {  	v5 =	vld [tilespmem:s28+$0x10];
	v0 =	vmul.f32 $9.999999770e-03, v0  }
0x57: {  	v6 =	vld [tilespmem:s28+$0x20];
	v1 =	vmul.f32 $9.999999770e-03, v1;
	v2 =	vmul.f32 $9.999999770e-03, v2  }
0x58: {  	s10 =	simm.s32 $0x20C0;
	v7 =	vld [tilespmem:s28+$0xFFFFFFC0];
	v4 =	vmul.f32 $9.999999770e-03, v4;
	v0 =	vmul.f32 $1.000000000e+02, v0  }
0x59: {  	v8 =	vld [tilespmem:s10+$0x30];
	v3 =	vmul.f32 $9.999999770e-03, v3;
	v1 =	vmul.f32 $1.000000000e+02, v1  }
0x5a: {  	v9 =	vld [tilespmem:s10+$0xFFFFFFD0];
	v10 =	vmul.f32 $1.000000000e+02, v2;
	v4 =	vmul.f32 $1.000000000e+02, v4;
	[tilespmem:s28+$0x30] =	vst v0  }
0x5b: {  	v11 =	vld [tilespmem:s10+$0xFFFFFFE0];
	[tilespmem:s28+$0xFFFFFFD0] =	vst v1;
	v0 =	vmul.f32 $1.000000000e+02, v3;
	v3 =	vmul.f32 $9.999999770e-03, v5  }
0x5c: {  	v2 =	vld [tilespmem:s10+$0xFFFFFFF0];
	[tilespmem:s28+$0xFFFFFFE0] =	vst v10;
	v5 =	vmul.f32 $9.999999770e-03, v6  }
0x5d: {  	v7 =	vmul.f32 $9.999999770e-03, v7;
	v1 =	vld [tilespmem:s10+$0x0];
	[tilespmem:s28+$0x0] =	vst v4;
	v10 =	vmul.f32 $1.000000000e+02, v3  }
0x5e: {  	v12 =	vmul.f32 $9.999999770e-03, v8;
	[tilespmem:s28+$0xFFFFFFF0] =	vst v0;
	v0 =	vld [tilespmem:s10+$0x10];
	v13 =	vmul.f32 $1.000000000e+02, v5  }
0x5f: {  	v7 =	vmul.f32 $1.000000000e+02, v7;
	v6 =	vmul.f32 $9.999999770e-03, v9;
	v3 =	vld [tilespmem:s10+$0x20];
	[tilespmem:s28+$0x10] =	vst v10  }
0x60: {  	s29 =	simm.s32 $0x2140;
	s11 =	simm.s32 $0x80;
	v8 =	vmul.f32 $9.999999770e-03, v11;
	v4 =	vld [tilespmem:s10+$0xFFFFFFC0];
	v5 =	vmul.f32 $1.000000000e+02, v12;
	[tilespmem:s28+$0x20] =	vst v13  }
.LBB2_4:
0x61: {  	v9 =	vld [tilespmem:s29+$0x30];
	s11 =	sadd.s32 $0x80, s11;
	v6 =	vmul.f32 $1.000000000e+02, v6;
	v2 =	vmul.f32 $9.999999770e-03, v2;
	[tilespmem:s28+$0xFFFFFFC0] =	vst v7;
	s28 =	smov.u32 s10;
	s10 =	smov.u32 s29  }
0x62: {  	v7 =	vld [tilespmem:s29+$0xFFFFFFD0];
	p0 =	slt.u32 s11, $0x1F80;
	v8 =	vmul.f32 $1.000000000e+02, v8;
	v1 =	vmul.f32 $9.999999770e-03, v1;
	[tilespmem:s28+$0x30] =	vst v5  }
0x63: {  	v5 =	vld [tilespmem:s29+$0xFFFFFFE0];
	[tilespmem:s28+$0xFFFFFFD0] =	vst v6;
	v6 =	vmul.f32 $1.000000000e+02, v2;
	v0 =	vmul.f32 $9.999999770e-03, v0  }
.Ltmp1:
0x64: {  	v2 =	vld [tilespmem:s29+$0xFFFFFFF0];
	[tilespmem:s28+$0xFFFFFFE0] =	vst v8;
	v8 =	vmul.f32 $1.000000000e+02, v1;
	v3 =	vmul.f32 $9.999999770e-03, v3;
	(pc) =	sbr.rel @p0 .LBB2_4-.Ltmp1, $4  }
0x65: {  	v1 =	vld [tilespmem:s29+$0x0];
	v4 =	vmul.f32 $9.999999770e-03, v4;
	[tilespmem:s28+$0xFFFFFFF0] =	vst v6;
	v10 =	vmul.f32 $1.000000000e+02, v0  }
0x66: {  	v0 =	vld [tilespmem:s29+$0x10];
	v9 =	vmul.f32 $9.999999770e-03, v9;
	[tilespmem:s28+$0x0] =	vst v8;
	v11 =	vmul.f32 $1.000000000e+02, v3  }
0x67: {  	v6 =	vmul.f32 $9.999999770e-03, v7;
	v3 =	vld [tilespmem:s29+$0x20];
	v7 =	vmul.f32 $1.000000000e+02, v4;
	[tilespmem:s28+$0x10] =	vst v10  }
0x68: {  	s29 =	sadd.s32 $0x80, s29;
	v4 =	vld [tilespmem:s10+$0xFFFFFFC0];
	v8 =	vmul.f32 $9.999999770e-03, v5;
	v5 =	vmul.f32 $1.000000000e+02, v9;
	[tilespmem:s28+$0x20] =	vst v11  }
0x69: {  	v6 =	vmul.f32 $1.000000000e+02, v6;
	v2 =	vmul.f32 $9.999999770e-03, v2;
	[tilespmem:s28+$0xFFFFFFC0] =	vst v7  }
0x6a: {  	v7 =	vmul.f32 $1.000000000e+02, v8;
	v1 =	vmul.f32 $9.999999770e-03, v1;
	[tilespmem:s10+$0x30] =	vst v5  }
0x6b: {  	[tilespmem:s10+$0xFFFFFFD0] =	vst v6;
	v2 =	vmul.f32 $1.000000000e+02, v2;
	v0 =	vmul.f32 $9.999999770e-03, v0  }
0x6c: {  	[tilespmem:s10+$0xFFFFFFE0] =	vst v7;
	v1 =	vmul.f32 $1.000000000e+02, v1;
	v3 =	vmul.f32 $9.999999770e-03, v3  }
0x6d: {  	v4 =	vmul.f32 $9.999999770e-03, v4;
	[tilespmem:s10+$0xFFFFFFF0] =	vst v2;
	v0 =	vmul.f32 $1.000000000e+02, v0  }
0x6e: {  	[tilespmem:s10+$0x0] =	vst v1;
	v1 =	vmul.f32 $1.000000000e+02, v3  }
0x6f: {  	v2 =	vmul.f32 $1.000000000e+02, v4;
	[tilespmem:s10+$0x10] =	vst v0  }
0x70: {  	[tilespmem:s10+$0x20] =	vst v1  }
0x71: {  	s11 =	simm.s32 $0x2000;
	[tilespmem:s10+$0xFFFFFFC0] =	vst v2  }
0x72: {  	[hbm4b:s12+s20] =	stream.strided.scatter [tilespmem:s11], [sflag:$0xA], $0x2000, s21, s20, $0x38;
	[tilespmem:$0x10000] =	vst v63  }
0x73: {  	_ =	swait.ge [sflag:s0], $0x2000  }
0x74: {  	[sflag:s0] =	ssyncset.done $0x0  }
0x75: {  	s28 =	simm.s32 $0x4040;
	[sflag:s0] =	ssyncadd.s32 $0xFFFFE000  }
0x76: {  	v0 =	vld [tilespmem:s28+$0x30]  }
0x77: {  	v1 =	vld [tilespmem:s28+$0xFFFFFFD0]  }
0x78: {  	v2 =	vld [tilespmem:s28+$0xFFFFFFE0]  }
0x79: {  	v4 =	vld [tilespmem:s28+$0x0]  }
0x7a: {  	v3 =	vld [tilespmem:s28+$0xFFFFFFF0];
	_ =	sdelay $0x1  }
0x7b: {  	v5 =	vld [tilespmem:s28+$0x10];
	v0 =	vmul.f32 $9.999999770e-03, v0  }
0x7c: {  	v6 =	vld [tilespmem:s28+$0x20];
	v1 =	vmul.f32 $9.999999770e-03, v1;
	v2 =	vmul.f32 $9.999999770e-03, v2  }
0x7d: {  	s10 =	simm.s32 $0x40C0;
	v7 =	vld [tilespmem:s28+$0xFFFFFFC0];
	v4 =	vmul.f32 $9.999999770e-03, v4;
	v0 =	vmul.f32 $1.000000000e+02, v0  }
0x7e: {  	v8 =	vld [tilespmem:s10+$0x30];
	v3 =	vmul.f32 $9.999999770e-03, v3;
	v1 =	vmul.f32 $1.000000000e+02, v1  }
0x7f: {  	v9 =	vld [tilespmem:s10+$0xFFFFFFD0];
	v10 =	vmul.f32 $1.000000000e+02, v2;
	v4 =	vmul.f32 $1.000000000e+02, v4;
	[tilespmem:s28+$0x30] =	vst v0  }
0x80: {  	v11 =	vld [tilespmem:s10+$0xFFFFFFE0];
	[tilespmem:s28+$0xFFFFFFD0] =	vst v1;
	v0 =	vmul.f32 $1.000000000e+02, v3;
	v3 =	vmul.f32 $9.999999770e-03, v5  }
0x81: {  	v2 =	vld [tilespmem:s10+$0xFFFFFFF0];
	[tilespmem:s28+$0xFFFFFFE0] =	vst v10;
	v5 =	vmul.f32 $9.999999770e-03, v6  }
0x82: {  	v7 =	vmul.f32 $9.999999770e-03, v7;
	v1 =	vld [tilespmem:s10+$0x0];
	[tilespmem:s28+$0x0] =	vst v4;
	v10 =	vmul.f32 $1.000000000e+02, v3  }
0x83: {  	v12 =	vmul.f32 $9.999999770e-03, v8;
	[tilespmem:s28+$0xFFFFFFF0] =	vst v0;
	v0 =	vld [tilespmem:s10+$0x10];
	v13 =	vmul.f32 $1.000000000e+02, v5  }
0x84: {  	v7 =	vmul.f32 $1.000000000e+02, v7;
	v6 =	vmul.f32 $9.999999770e-03, v9;
	v3 =	vld [tilespmem:s10+$0x20];
	[tilespmem:s28+$0x10] =	vst v10  }
0x85: {  	s29 =	simm.s32 $0x4140;
	s11 =	simm.s32 $0x80;
	v8 =	vmul.f32 $9.999999770e-03, v11;
	v4 =	vld [tilespmem:s10+$0xFFFFFFC0];
	v5 =	vmul.f32 $1.000000000e+02, v12;
	[tilespmem:s28+$0x20] =	vst v13  }
.LBB2_6:
0x86: {  	v9 =	vld [tilespmem:s29+$0x30];
	s11 =	sadd.s32 $0x80, s11;
	v6 =	vmul.f32 $1.000000000e+02, v6;
	v2 =	vmul.f32 $9.999999770e-03, v2;
	[tilespmem:s28+$0xFFFFFFC0] =	vst v7;
	s28 =	smov.u32 s10;
	s10 =	smov.u32 s29  }
0x87: {  	v7 =	vld [tilespmem:s29+$0xFFFFFFD0];
	p0 =	slt.u32 s11, $0x1F80;
	v8 =	vmul.f32 $1.000000000e+02, v8;
	v1 =	vmul.f32 $9.999999770e-03, v1;
	[tilespmem:s28+$0x30] =	vst v5  }
0x88: {  	v5 =	vld [tilespmem:s29+$0xFFFFFFE0];
	[tilespmem:s28+$0xFFFFFFD0] =	vst v6;
	v6 =	vmul.f32 $1.000000000e+02, v2;
	v0 =	vmul.f32 $9.999999770e-03, v0  }
.Ltmp2:
0x89: {  	v2 =	vld [tilespmem:s29+$0xFFFFFFF0];
	[tilespmem:s28+$0xFFFFFFE0] =	vst v8;
	v8 =	vmul.f32 $1.000000000e+02, v1;
	v3 =	vmul.f32 $9.999999770e-03, v3;
	(pc) =	sbr.rel @p0 .LBB2_6-.Ltmp2, $4  }
0x8a: {  	v1 =	vld [tilespmem:s29+$0x0];
	v4 =	vmul.f32 $9.999999770e-03, v4;
	[tilespmem:s28+$0xFFFFFFF0] =	vst v6;
	v10 =	vmul.f32 $1.000000000e+02, v0  }
0x8b: {  	v0 =	vld [tilespmem:s29+$0x10];
	v9 =	vmul.f32 $9.999999770e-03, v9;
	[tilespmem:s28+$0x0] =	vst v8;
	v11 =	vmul.f32 $1.000000000e+02, v3  }
0x8c: {  	v6 =	vmul.f32 $9.999999770e-03, v7;
	v3 =	vld [tilespmem:s29+$0x20];
	v7 =	vmul.f32 $1.000000000e+02, v4;
	[tilespmem:s28+$0x10] =	vst v10  }
0x8d: {  	s29 =	sadd.s32 $0x80, s29;
	v4 =	vld [tilespmem:s10+$0xFFFFFFC0];
	v8 =	vmul.f32 $9.999999770e-03, v5;
	v5 =	vmul.f32 $1.000000000e+02, v9;
	[tilespmem:s28+$0x20] =	vst v11  }
0x8e: {  	v6 =	vmul.f32 $1.000000000e+02, v6;
	v2 =	vmul.f32 $9.999999770e-03, v2;
	[tilespmem:s28+$0xFFFFFFC0] =	vst v7  }
0x8f: {  	v7 =	vmul.f32 $1.000000000e+02, v8;
	v1 =	vmul.f32 $9.999999770e-03, v1;
	[tilespmem:s10+$0x30] =	vst v5  }
0x90: {  	[tilespmem:s10+$0xFFFFFFD0] =	vst v6;
	v2 =	vmul.f32 $1.000000000e+02, v2;
	v0 =	vmul.f32 $9.999999770e-03, v0  }
0x91: {  	[tilespmem:s10+$0xFFFFFFE0] =	vst v7;
	v1 =	vmul.f32 $1.000000000e+02, v1;
	v3 =	vmul.f32 $9.999999770e-03, v3  }
0x92: {  	v4 =	vmul.f32 $9.999999770e-03, v4;
	[tilespmem:s10+$0xFFFFFFF0] =	vst v2;
	v0 =	vmul.f32 $1.000000000e+02, v0  }
0x93: {  	[tilespmem:s10+$0x0] =	vst v1;
	v1 =	vmul.f32 $1.000000000e+02, v3  }
0x94: {  	v2 =	vmul.f32 $1.000000000e+02, v4;
	[tilespmem:s10+$0x10] =	vst v0  }
0x95: {  	[tilespmem:s10+$0x20] =	vst v1  }
0x96: {  	s11 =	simm.s32 $0x4000;
	[tilespmem:s10+$0xFFFFFFC0] =	vst v2  }
0x97: {  	[hbm4b:s13+s20] =	stream.strided.scatter [tilespmem:s11], [sflag:$0xB], $0x2000, s21, s20, $0x38;
	[tilespmem:$0x10000] =	vst v63  }
0x98: {  	_ =	swait.ge [sflag:s1], $0x2000  }
0x99: {  	[sflag:s1] =	ssyncset.done $0x0  }
0x9a: {  	s28 =	simm.s32 $0x6040;
	[sflag:s1] =	ssyncadd.s32 $0xFFFFE000  }
0x9b: {  	v0 =	vld [tilespmem:s28+$0x30]  }
0x9c: {  	v1 =	vld [tilespmem:s28+$0xFFFFFFD0]  }
0x9d: {  	v2 =	vld [tilespmem:s28+$0xFFFFFFE0]  }
0x9e: {  	v4 =	vld [tilespmem:s28+$0x0]  }
0x9f: {  	v3 =	vld [tilespmem:s28+$0xFFFFFFF0];
	_ =	sdelay $0x1  }
0xa0: {  	v5 =	vld [tilespmem:s28+$0x10];
	v0 =	vmul.f32 $9.999999770e-03, v0  }
0xa1: {  	v6 =	vld [tilespmem:s28+$0x20];
	v1 =	vmul.f32 $9.999999770e-03, v1;
	v2 =	vmul.f32 $9.999999770e-03, v2  }
0xa2: {  	s10 =	simm.s32 $0x60C0;
	v7 =	vld [tilespmem:s28+$0xFFFFFFC0];
	v4 =	vmul.f32 $9.999999770e-03, v4;
	v0 =	vmul.f32 $1.000000000e+02, v0  }
0xa3: {  	v8 =	vld [tilespmem:s10+$0x30];
	v3 =	vmul.f32 $9.999999770e-03, v3;
	v1 =	vmul.f32 $1.000000000e+02, v1  }
0xa4: {  	v9 =	vld [tilespmem:s10+$0xFFFFFFD0];
	v10 =	vmul.f32 $1.000000000e+02, v2;
	v4 =	vmul.f32 $1.000000000e+02, v4;
	[tilespmem:s28+$0x30] =	vst v0  }
0xa5: {  	v11 =	vld [tilespmem:s10+$0xFFFFFFE0];
	[tilespmem:s28+$0xFFFFFFD0] =	vst v1;
	v0 =	vmul.f32 $1.000000000e+02, v3;
	v3 =	vmul.f32 $9.999999770e-03, v5  }
0xa6: {  	v2 =	vld [tilespmem:s10+$0xFFFFFFF0];
	[tilespmem:s28+$0xFFFFFFE0] =	vst v10;
	v5 =	vmul.f32 $9.999999770e-03, v6  }
0xa7: {  	v7 =	vmul.f32 $9.999999770e-03, v7;
	v1 =	vld [tilespmem:s10+$0x0];
	[tilespmem:s28+$0x0] =	vst v4;
	v10 =	vmul.f32 $1.000000000e+02, v3  }
0xa8: {  	v12 =	vmul.f32 $9.999999770e-03, v8;
	[tilespmem:s28+$0xFFFFFFF0] =	vst v0;
	v0 =	vld [tilespmem:s10+$0x10];
	v13 =	vmul.f32 $1.000000000e+02, v5  }
0xa9: {  	v7 =	vmul.f32 $1.000000000e+02, v7;
	v6 =	vmul.f32 $9.999999770e-03, v9;
	v3 =	vld [tilespmem:s10+$0x20];
	[tilespmem:s28+$0x10] =	vst v10  }
0xaa: {  	s29 =	simm.s32 $0x6140;
	s11 =	simm.s32 $0x80;
	v8 =	vmul.f32 $9.999999770e-03, v11;
	v4 =	vld [tilespmem:s10+$0xFFFFFFC0];
	v5 =	vmul.f32 $1.000000000e+02, v12;
	[tilespmem:s28+$0x20] =	vst v13  }
.LBB2_8:
0xab: {  	v9 =	vld [tilespmem:s29+$0x30];
	s11 =	sadd.s32 $0x80, s11;
	v6 =	vmul.f32 $1.000000000e+02, v6;
	v2 =	vmul.f32 $9.999999770e-03, v2;
	[tilespmem:s28+$0xFFFFFFC0] =	vst v7;
	s28 =	smov.u32 s10;
	s10 =	smov.u32 s29  }
0xac: {  	v7 =	vld [tilespmem:s29+$0xFFFFFFD0];
	p0 =	slt.u32 s11, $0x1F80;
	v8 =	vmul.f32 $1.000000000e+02, v8;
	v1 =	vmul.f32 $9.999999770e-03, v1;
	[tilespmem:s28+$0x30] =	vst v5  }
0xad: {  	v5 =	vld [tilespmem:s29+$0xFFFFFFE0];
	[tilespmem:s28+$0xFFFFFFD0] =	vst v6;
	v6 =	vmul.f32 $1.000000000e+02, v2;
	v0 =	vmul.f32 $9.999999770e-03, v0  }
.Ltmp3:
0xae: {  	v2 =	vld [tilespmem:s29+$0xFFFFFFF0];
	[tilespmem:s28+$0xFFFFFFE0] =	vst v8;
	v8 =	vmul.f32 $1.000000000e+02, v1;
	v3 =	vmul.f32 $9.999999770e-03, v3;
	(pc) =	sbr.rel @p0 .LBB2_8-.Ltmp3, $4  }
0xaf: {  	v1 =	vld [tilespmem:s29+$0x0];
	v4 =	vmul.f32 $9.999999770e-03, v4;
	[tilespmem:s28+$0xFFFFFFF0] =	vst v6;
	v10 =	vmul.f32 $1.000000000e+02, v0  }
0xb0: {  	v0 =	vld [tilespmem:s29+$0x10];
	v9 =	vmul.f32 $9.999999770e-03, v9;
	[tilespmem:s28+$0x0] =	vst v8;
	v11 =	vmul.f32 $1.000000000e+02, v3  }
0xb1: {  	v6 =	vmul.f32 $9.999999770e-03, v7;
	v3 =	vld [tilespmem:s29+$0x20];
	v7 =	vmul.f32 $1.000000000e+02, v4;
	[tilespmem:s28+$0x10] =	vst v10  }
0xb2: {  	s29 =	sadd.s32 $0x80, s29;
	v4 =	vld [tilespmem:s10+$0xFFFFFFC0];
	v8 =	vmul.f32 $9.999999770e-03, v5;
	v5 =	vmul.f32 $1.000000000e+02, v9;
	[tilespmem:s28+$0x20] =	vst v11  }
0xb3: {  	v6 =	vmul.f32 $1.000000000e+02, v6;
	v2 =	vmul.f32 $9.999999770e-03, v2;
	[tilespmem:s28+$0xFFFFFFC0] =	vst v7  }
0xb4: {  	v7 =	vmul.f32 $1.000000000e+02, v8;
	v1 =	vmul.f32 $9.999999770e-03, v1;
	[tilespmem:s10+$0x30] =	vst v5  }
0xb5: {  	[tilespmem:s10+$0xFFFFFFD0] =	vst v6;
	v2 =	vmul.f32 $1.000000000e+02, v2;
	v0 =	vmul.f32 $9.999999770e-03, v0  }
0xb6: {  	[tilespmem:s10+$0xFFFFFFE0] =	vst v7;
	v1 =	vmul.f32 $1.000000000e+02, v1;
	v3 =	vmul.f32 $9.999999770e-03, v3  }
0xb7: {  	v4 =	vmul.f32 $9.999999770e-03, v4;
	[tilespmem:s10+$0xFFFFFFF0] =	vst v2;
	v0 =	vmul.f32 $1.000000000e+02, v0  }
0xb8: {  	[tilespmem:s10+$0x0] =	vst v1;
	v1 =	vmul.f32 $1.000000000e+02, v3  }
0xb9: {  	v2 =	vmul.f32 $1.000000000e+02, v4;
	[tilespmem:s10+$0x10] =	vst v0  }
0xba: {  	[tilespmem:s10+$0x20] =	vst v1  }
0xbb: {  	s11 =	simm.s32 $0x6000;
	[tilespmem:s10+$0xFFFFFFC0] =	vst v2  }
0xbc: {  	[hbm4b:s14+s20] =	stream.strided.scatter [tilespmem:s11], [sflag:$0xC], $0x2000, s21, s20, $0x38;
	[tilespmem:$0x10000] =	vst v63  }
0xbd: {  	_ =	swait.ge [sflag:s2], $0x2000  }
0xbe: {  	[sflag:s2] =	ssyncset.done $0x0  }
0xbf: {  	s28 =	simm.s32 $0x8040;
	[sflag:s2] =	ssyncadd.s32 $0xFFFFE000  }
0xc0: {  	v0 =	vld [tilespmem:s28+$0x30]  }
0xc1: {  	v1 =	vld [tilespmem:s28+$0xFFFFFFD0]  }
0xc2: {  	v2 =	vld [tilespmem:s28+$0xFFFFFFE0]  }
0xc3: {  	v4 =	vld [tilespmem:s28+$0x0]  }
0xc4: {  	v3 =	vld [tilespmem:s28+$0xFFFFFFF0];
	_ =	sdelay $0x1  }
0xc5: {  	v5 =	vld [tilespmem:s28+$0x10];
	v0 =	vmul.f32 $9.999999770e-03, v0  }
0xc6: {  	v6 =	vld [tilespmem:s28+$0x20];
	v1 =	vmul.f32 $9.999999770e-03, v1;
	v2 =	vmul.f32 $9.999999770e-03, v2  }
0xc7: {  	s10 =	simm.s32 $0x80C0;
	v7 =	vld [tilespmem:s28+$0xFFFFFFC0];
	v4 =	vmul.f32 $9.999999770e-03, v4;
	v0 =	vmul.f32 $1.000000000e+02, v0  }
0xc8: {  	v8 =	vld [tilespmem:s10+$0x30];
	v3 =	vmul.f32 $9.999999770e-03, v3;
	v1 =	vmul.f32 $1.000000000e+02, v1  }
0xc9: {  	v9 =	vld [tilespmem:s10+$0xFFFFFFD0];
	v10 =	vmul.f32 $1.000000000e+02, v2;
	v4 =	vmul.f32 $1.000000000e+02, v4;
	[tilespmem:s28+$0x30] =	vst v0  }
0xca: {  	v11 =	vld [tilespmem:s10+$0xFFFFFFE0];
	[tilespmem:s28+$0xFFFFFFD0] =	vst v1;
	v0 =	vmul.f32 $1.000000000e+02, v3;
	v3 =	vmul.f32 $9.999999770e-03, v5  }
0xcb: {  	v2 =	vld [tilespmem:s10+$0xFFFFFFF0];
	[tilespmem:s28+$0xFFFFFFE0] =	vst v10;
	v5 =	vmul.f32 $9.999999770e-03, v6  }
0xcc: {  	v7 =	vmul.f32 $9.999999770e-03, v7;
	v1 =	vld [tilespmem:s10+$0x0];
	[tilespmem:s28+$0x0] =	vst v4;
	v10 =	vmul.f32 $1.000000000e+02, v3  }
0xcd: {  	v12 =	vmul.f32 $9.999999770e-03, v8;
	[tilespmem:s28+$0xFFFFFFF0] =	vst v0;
	v0 =	vld [tilespmem:s10+$0x10];
	v13 =	vmul.f32 $1.000000000e+02, v5  }
0xce: {  	v7 =	vmul.f32 $1.000000000e+02, v7;
	v6 =	vmul.f32 $9.999999770e-03, v9;
	v3 =	vld [tilespmem:s10+$0x20];
	[tilespmem:s28+$0x10] =	vst v10  }
0xcf: {  	s29 =	simm.s32 $0x8140;
	s11 =	simm.s32 $0x80;
	v8 =	vmul.f32 $9.999999770e-03, v11;
	v4 =	vld [tilespmem:s10+$0xFFFFFFC0];
	v5 =	vmul.f32 $1.000000000e+02, v12;
	[tilespmem:s28+$0x20] =	vst v13  }
.LBB2_10:
0xd0: {  	v9 =	vld [tilespmem:s29+$0x30];
	s11 =	sadd.s32 $0x80, s11;
	v6 =	vmul.f32 $1.000000000e+02, v6;
	v2 =	vmul.f32 $9.999999770e-03, v2;
	[tilespmem:s28+$0xFFFFFFC0] =	vst v7;
	s28 =	smov.u32 s10;
	s10 =	smov.u32 s29  }
0xd1: {  	v7 =	vld [tilespmem:s29+$0xFFFFFFD0];
	p0 =	slt.u32 s11, $0x1F80;
	v8 =	vmul.f32 $1.000000000e+02, v8;
	v1 =	vmul.f32 $9.999999770e-03, v1;
	[tilespmem:s28+$0x30] =	vst v5  }
0xd2: {  	v5 =	vld [tilespmem:s29+$0xFFFFFFE0];
	[tilespmem:s28+$0xFFFFFFD0] =	vst v6;
	v6 =	vmul.f32 $1.000000000e+02, v2;
	v0 =	vmul.f32 $9.999999770e-03, v0  }
.Ltmp4:
0xd3: {  	v2 =	vld [tilespmem:s29+$0xFFFFFFF0];
	[tilespmem:s28+$0xFFFFFFE0] =	vst v8;
	v8 =	vmul.f32 $1.000000000e+02, v1;
	v3 =	vmul.f32 $9.999999770e-03, v3;
	(pc) =	sbr.rel @p0 .LBB2_10-.Ltmp4, $4  }
0xd4: {  	v1 =	vld [tilespmem:s29+$0x0];
	v4 =	vmul.f32 $9.999999770e-03, v4;
	[tilespmem:s28+$0xFFFFFFF0] =	vst v6;
	v10 =	vmul.f32 $1.000000000e+02, v0  }
0xd5: {  	v0 =	vld [tilespmem:s29+$0x10];
	v9 =	vmul.f32 $9.999999770e-03, v9;
	[tilespmem:s28+$0x0] =	vst v8;
	v11 =	vmul.f32 $1.000000000e+02, v3  }
0xd6: {  	v6 =	vmul.f32 $9.999999770e-03, v7;
	v3 =	vld [tilespmem:s29+$0x20];
	v7 =	vmul.f32 $1.000000000e+02, v4;
	[tilespmem:s28+$0x10] =	vst v10  }
0xd7: {  	s29 =	sadd.s32 $0x80, s29;
	v4 =	vld [tilespmem:s10+$0xFFFFFFC0];
	v8 =	vmul.f32 $9.999999770e-03, v5;
	v5 =	vmul.f32 $1.000000000e+02, v9;
	[tilespmem:s28+$0x20] =	vst v11  }
0xd8: {  	v6 =	vmul.f32 $1.000000000e+02, v6;
	v2 =	vmul.f32 $9.999999770e-03, v2;
	[tilespmem:s28+$0xFFFFFFC0] =	vst v7  }
0xd9: {  	v7 =	vmul.f32 $1.000000000e+02, v8;
	v1 =	vmul.f32 $9.999999770e-03, v1;
	[tilespmem:s10+$0x30] =	vst v5  }
0xda: {  	[tilespmem:s10+$0xFFFFFFD0] =	vst v6;
	v2 =	vmul.f32 $1.000000000e+02, v2;
	v0 =	vmul.f32 $9.999999770e-03, v0  }
0xdb: {  	[tilespmem:s10+$0xFFFFFFE0] =	vst v7;
	v1 =	vmul.f32 $1.000000000e+02, v1;
	v3 =	vmul.f32 $9.999999770e-03, v3  }
0xdc: {  	v4 =	vmul.f32 $9.999999770e-03, v4;
	[tilespmem:s10+$0xFFFFFFF0] =	vst v2;
	v0 =	vmul.f32 $1.000000000e+02, v0  }
0xdd: {  	[tilespmem:s10+$0x0] =	vst v1;
	v1 =	vmul.f32 $1.000000000e+02, v3  }
0xde: {  	v2 =	vmul.f32 $1.000000000e+02, v4;
	[tilespmem:s10+$0x10] =	vst v0  }
0xdf: {  	[tilespmem:s10+$0x20] =	vst v1  }
0xe0: {  	s11 =	simm.s32 $0x8000;
	[tilespmem:s10+$0xFFFFFFC0] =	vst v2  }
0xe1: {  	[hbm4b:s15+s20] =	stream.strided.scatter [tilespmem:s11], [sflag:$0xD], $0x2000, s21, s20, $0x38;
	[tilespmem:$0x10000] =	vst v63  }
0xe2: {  	_ =	swait.ge [sflag:s3], $0x2000  }
0xe3: {  	[sflag:s3] =	ssyncset.done $0x0  }
0xe4: {  	s28 =	simm.s32 $0xA040;
	[sflag:s3] =	ssyncadd.s32 $0xFFFFE000  }
0xe5: {  	v0 =	vld [tilespmem:s28+$0x30]  }
0xe6: {  	v1 =	vld [tilespmem:s28+$0xFFFFFFD0]  }
0xe7: {  	v2 =	vld [tilespmem:s28+$0xFFFFFFE0]  }
0xe8: {  	v4 =	vld [tilespmem:s28+$0x0]  }
0xe9: {  	v3 =	vld [tilespmem:s28+$0xFFFFFFF0];
	_ =	sdelay $0x1  }
0xea: {  	v5 =	vld [tilespmem:s28+$0x10];
	v0 =	vmul.f32 $9.999999770e-03, v0  }
0xeb: {  	v6 =	vld [tilespmem:s28+$0x20];
	v1 =	vmul.f32 $9.999999770e-03, v1;
	v2 =	vmul.f32 $9.999999770e-03, v2  }
0xec: {  	s10 =	simm.s32 $0xA0C0;
	v7 =	vld [tilespmem:s28+$0xFFFFFFC0];
	v4 =	vmul.f32 $9.999999770e-03, v4;
	v0 =	vmul.f32 $1.000000000e+02, v0  }
0xed: {  	v8 =	vld [tilespmem:s10+$0x30];
	v3 =	vmul.f32 $9.999999770e-03, v3;
	v1 =	vmul.f32 $1.000000000e+02, v1  }
0xee: {  	v9 =	vld [tilespmem:s10+$0xFFFFFFD0];
	v10 =	vmul.f32 $1.000000000e+02, v2;
	v4 =	vmul.f32 $1.000000000e+02, v4;
	[tilespmem:s28+$0x30] =	vst v0  }
0xef: {  	v11 =	vld [tilespmem:s10+$0xFFFFFFE0];
	[tilespmem:s28+$0xFFFFFFD0] =	vst v1;
	v0 =	vmul.f32 $1.000000000e+02, v3;
	v3 =	vmul.f32 $9.999999770e-03, v5  }
0xf0: {  	v2 =	vld [tilespmem:s10+$0xFFFFFFF0];
	[tilespmem:s28+$0xFFFFFFE0] =	vst v10;
	v5 =	vmul.f32 $9.999999770e-03, v6  }
0xf1: {  	v7 =	vmul.f32 $9.999999770e-03, v7;
	v1 =	vld [tilespmem:s10+$0x0];
	[tilespmem:s28+$0x0] =	vst v4;
	v10 =	vmul.f32 $1.000000000e+02, v3  }
0xf2: {  	v12 =	vmul.f32 $9.999999770e-03, v8;
	[tilespmem:s28+$0xFFFFFFF0] =	vst v0;
	v0 =	vld [tilespmem:s10+$0x10];
	v13 =	vmul.f32 $1.000000000e+02, v5  }
0xf3: {  	v7 =	vmul.f32 $1.000000000e+02, v7;
	v6 =	vmul.f32 $9.999999770e-03, v9;
	v3 =	vld [tilespmem:s10+$0x20];
	[tilespmem:s28+$0x10] =	vst v10  }
0xf4: {  	s29 =	simm.s32 $0xA140;
	s11 =	simm.s32 $0x80;
	v8 =	vmul.f32 $9.999999770e-03, v11;
	v4 =	vld [tilespmem:s10+$0xFFFFFFC0];
	v5 =	vmul.f32 $1.000000000e+02, v12;
	[tilespmem:s28+$0x20] =	vst v13  }
.LBB2_12:
0xf5: {  	v9 =	vld [tilespmem:s29+$0x30];
	s11 =	sadd.s32 $0x80, s11;
	v6 =	vmul.f32 $1.000000000e+02, v6;
	v2 =	vmul.f32 $9.999999770e-03, v2;
	[tilespmem:s28+$0xFFFFFFC0] =	vst v7;
	s28 =	smov.u32 s10;
	s10 =	smov.u32 s29  }
0xf6: {  	v7 =	vld [tilespmem:s29+$0xFFFFFFD0];
	p0 =	slt.u32 s11, $0x1F80;
	v8 =	vmul.f32 $1.000000000e+02, v8;
	v1 =	vmul.f32 $9.999999770e-03, v1;
	[tilespmem:s28+$0x30] =	vst v5  }
0xf7: {  	v5 =	vld [tilespmem:s29+$0xFFFFFFE0];
	[tilespmem:s28+$0xFFFFFFD0] =	vst v6;
	v6 =	vmul.f32 $1.000000000e+02, v2;
	v0 =	vmul.f32 $9.999999770e-03, v0  }
.Ltmp5:
0xf8: {  	v2 =	vld [tilespmem:s29+$0xFFFFFFF0];
	[tilespmem:s28+$0xFFFFFFE0] =	vst v8;
	v8 =	vmul.f32 $1.000000000e+02, v1;
	v3 =	vmul.f32 $9.999999770e-03, v3;
	(pc) =	sbr.rel @p0 .LBB2_12-.Ltmp5, $4  }
0xf9: {  	v1 =	vld [tilespmem:s29+$0x0];
	v4 =	vmul.f32 $9.999999770e-03, v4;
	[tilespmem:s28+$0xFFFFFFF0] =	vst v6;
	v10 =	vmul.f32 $1.000000000e+02, v0  }
0xfa: {  	v0 =	vld [tilespmem:s29+$0x10];
	v9 =	vmul.f32 $9.999999770e-03, v9;
	[tilespmem:s28+$0x0] =	vst v8;
	v11 =	vmul.f32 $1.000000000e+02, v3  }
0xfb: {  	v6 =	vmul.f32 $9.999999770e-03, v7;
	v3 =	vld [tilespmem:s29+$0x20];
	v7 =	vmul.f32 $1.000000000e+02, v4;
	[tilespmem:s28+$0x10] =	vst v10  }
0xfc: {  	s29 =	sadd.s32 $0x80, s29;
	v4 =	vld [tilespmem:s10+$0xFFFFFFC0];
	v8 =	vmul.f32 $9.999999770e-03, v5;
	v5 =	vmul.f32 $1.000000000e+02, v9;
	[tilespmem:s28+$0x20] =	vst v11  }
0xfd: {  	v6 =	vmul.f32 $1.000000000e+02, v6;
	v2 =	vmul.f32 $9.999999770e-03, v2;
	[tilespmem:s28+$0xFFFFFFC0] =	vst v7  }
0xfe: {  	v7 =	vmul.f32 $1.000000000e+02, v8;
	v1 =	vmul.f32 $9.999999770e-03, v1;
	[tilespmem:s10+$0x30] =	vst v5  }
0xff: {  	[tilespmem:s10+$0xFFFFFFD0] =	vst v6;
	v2 =	vmul.f32 $1.000000000e+02, v2;
	v0 =	vmul.f32 $9.999999770e-03, v0  }
0x100: {  	[tilespmem:s10+$0xFFFFFFE0] =	vst v7;
	v1 =	vmul.f32 $1.000000000e+02, v1;
	v3 =	vmul.f32 $9.999999770e-03, v3  }
0x101: {  	v4 =	vmul.f32 $9.999999770e-03, v4;
	[tilespmem:s10+$0xFFFFFFF0] =	vst v2;
	v0 =	vmul.f32 $1.000000000e+02, v0  }
0x102: {  	[tilespmem:s10+$0x0] =	vst v1;
	v1 =	vmul.f32 $1.000000000e+02, v3  }
0x103: {  	v2 =	vmul.f32 $1.000000000e+02, v4;
	[tilespmem:s10+$0x10] =	vst v0  }
0x104: {  	[tilespmem:s10+$0x20] =	vst v1  }
0x105: {  	s11 =	simm.s32 $0xA000;
	[tilespmem:s10+$0xFFFFFFC0] =	vst v2  }
0x106: {  	[hbm4b:s16+s20] =	stream.strided.scatter [tilespmem:s11], [sflag:$0xE], $0x2000, s21, s20, $0x38;
	[tilespmem:$0x10000] =	vst v63  }
0x107: {  	_ =	swait.ge [sflag:s4], $0x2000  }
0x108: {  	[sflag:s4] =	ssyncset.done $0x0  }
0x109: {  	s28 =	simm.s32 $0xC040;
	[sflag:s4] =	ssyncadd.s32 $0xFFFFE000  }
0x10a: {  	v0 =	vld [tilespmem:s28+$0x30]  }
0x10b: {  	v1 =	vld [tilespmem:s28+$0xFFFFFFD0]  }
0x10c: {  	v2 =	vld [tilespmem:s28+$0xFFFFFFE0]  }
0x10d: {  	v4 =	vld [tilespmem:s28+$0x0]  }
0x10e: {  	v3 =	vld [tilespmem:s28+$0xFFFFFFF0];
	_ =	sdelay $0x1  }
0x10f: {  	v5 =	vld [tilespmem:s28+$0x10];
	v0 =	vmul.f32 $9.999999770e-03, v0  }
0x110: {  	v6 =	vld [tilespmem:s28+$0x20];
	v1 =	vmul.f32 $9.999999770e-03, v1;
	v2 =	vmul.f32 $9.999999770e-03, v2  }
0x111: {  	s10 =	simm.s32 $0xC0C0;
	v7 =	vld [tilespmem:s28+$0xFFFFFFC0];
	v4 =	vmul.f32 $9.999999770e-03, v4;
	v0 =	vmul.f32 $1.000000000e+02, v0  }
0x112: {  	v8 =	vld [tilespmem:s10+$0x30];
	v3 =	vmul.f32 $9.999999770e-03, v3;
	v1 =	vmul.f32 $1.000000000e+02, v1  }
0x113: {  	v9 =	vld [tilespmem:s10+$0xFFFFFFD0];
	v10 =	vmul.f32 $1.000000000e+02, v2;
	v4 =	vmul.f32 $1.000000000e+02, v4;
	[tilespmem:s28+$0x30] =	vst v0  }
0x114: {  	v11 =	vld [tilespmem:s10+$0xFFFFFFE0];
	[tilespmem:s28+$0xFFFFFFD0] =	vst v1;
	v0 =	vmul.f32 $1.000000000e+02, v3;
	v3 =	vmul.f32 $9.999999770e-03, v5  }
0x115: {  	v2 =	vld [tilespmem:s10+$0xFFFFFFF0];
	[tilespmem:s28+$0xFFFFFFE0] =	vst v10;
	v5 =	vmul.f32 $9.999999770e-03, v6  }
0x116: {  	v7 =	vmul.f32 $9.999999770e-03, v7;
	v1 =	vld [tilespmem:s10+$0x0];
	[tilespmem:s28+$0x0] =	vst v4;
	v10 =	vmul.f32 $1.000000000e+02, v3  }
0x117: {  	v12 =	vmul.f32 $9.999999770e-03, v8;
	[tilespmem:s28+$0xFFFFFFF0] =	vst v0;
	v0 =	vld [tilespmem:s10+$0x10];
	v13 =	vmul.f32 $1.000000000e+02, v5  }
0x118: {  	v7 =	vmul.f32 $1.000000000e+02, v7;
	v6 =	vmul.f32 $9.999999770e-03, v9;
	v3 =	vld [tilespmem:s10+$0x20];
	[tilespmem:s28+$0x10] =	vst v10  }
0x119: {  	s29 =	simm.s32 $0xC140;
	s11 =	simm.s32 $0x80;
	v8 =	vmul.f32 $9.999999770e-03, v11;
	v4 =	vld [tilespmem:s10+$0xFFFFFFC0];
	v5 =	vmul.f32 $1.000000000e+02, v12;
	[tilespmem:s28+$0x20] =	vst v13  }
.LBB2_14:
0x11a: {  	v9 =	vld [tilespmem:s29+$0x30];
	s11 =	sadd.s32 $0x80, s11;
	v6 =	vmul.f32 $1.000000000e+02, v6;
	v2 =	vmul.f32 $9.999999770e-03, v2;
	[tilespmem:s28+$0xFFFFFFC0] =	vst v7;
	s28 =	smov.u32 s10;
	s10 =	smov.u32 s29  }
0x11b: {  	v7 =	vld [tilespmem:s29+$0xFFFFFFD0];
	p0 =	slt.u32 s11, $0x1F80;
	v8 =	vmul.f32 $1.000000000e+02, v8;
	v1 =	vmul.f32 $9.999999770e-03, v1;
	[tilespmem:s28+$0x30] =	vst v5  }
0x11c: {  	v5 =	vld [tilespmem:s29+$0xFFFFFFE0];
	[tilespmem:s28+$0xFFFFFFD0] =	vst v6;
	v6 =	vmul.f32 $1.000000000e+02, v2;
	v0 =	vmul.f32 $9.999999770e-03, v0  }
.Ltmp6:
0x11d: {  	v2 =	vld [tilespmem:s29+$0xFFFFFFF0];
	[tilespmem:s28+$0xFFFFFFE0] =	vst v8;
	v8 =	vmul.f32 $1.000000000e+02, v1;
	v3 =	vmul.f32 $9.999999770e-03, v3;
	(pc) =	sbr.rel @p0 .LBB2_14-.Ltmp6, $4  }
0x11e: {  	v1 =	vld [tilespmem:s29+$0x0];
	v4 =	vmul.f32 $9.999999770e-03, v4;
	[tilespmem:s28+$0xFFFFFFF0] =	vst v6;
	v10 =	vmul.f32 $1.000000000e+02, v0  }
0x11f: {  	v0 =	vld [tilespmem:s29+$0x10];
	v9 =	vmul.f32 $9.999999770e-03, v9;
	[tilespmem:s28+$0x0] =	vst v8;
	v11 =	vmul.f32 $1.000000000e+02, v3  }
0x120: {  	v6 =	vmul.f32 $9.999999770e-03, v7;
	v3 =	vld [tilespmem:s29+$0x20];
	v7 =	vmul.f32 $1.000000000e+02, v4;
	[tilespmem:s28+$0x10] =	vst v10  }
0x121: {  	s29 =	sadd.s32 $0x80, s29;
	v4 =	vld [tilespmem:s10+$0xFFFFFFC0];
	v8 =	vmul.f32 $9.999999770e-03, v5;
	v5 =	vmul.f32 $1.000000000e+02, v9;
	[tilespmem:s28+$0x20] =	vst v11  }
0x122: {  	v6 =	vmul.f32 $1.000000000e+02, v6;
	v2 =	vmul.f32 $9.999999770e-03, v2;
	[tilespmem:s28+$0xFFFFFFC0] =	vst v7  }
0x123: {  	v7 =	vmul.f32 $1.000000000e+02, v8;
	v1 =	vmul.f32 $9.999999770e-03, v1;
	[tilespmem:s10+$0x30] =	vst v5  }
0x124: {  	[tilespmem:s10+$0xFFFFFFD0] =	vst v6;
	v2 =	vmul.f32 $1.000000000e+02, v2;
	v0 =	vmul.f32 $9.999999770e-03, v0  }
0x125: {  	[tilespmem:s10+$0xFFFFFFE0] =	vst v7;
	v1 =	vmul.f32 $1.000000000e+02, v1;
	v3 =	vmul.f32 $9.999999770e-03, v3  }
0x126: {  	v4 =	vmul.f32 $9.999999770e-03, v4;
	[tilespmem:s10+$0xFFFFFFF0] =	vst v2;
	v0 =	vmul.f32 $1.000000000e+02, v0  }
0x127: {  	[tilespmem:s10+$0x0] =	vst v1;
	v1 =	vmul.f32 $1.000000000e+02, v3  }
0x128: {  	v2 =	vmul.f32 $1.000000000e+02, v4;
	[tilespmem:s10+$0x10] =	vst v0  }
0x129: {  	[tilespmem:s10+$0x20] =	vst v1  }
0x12a: {  	s11 =	simm.s32 $0xC000;
	[tilespmem:s10+$0xFFFFFFC0] =	vst v2  }
0x12b: {  	[hbm4b:s17+s20] =	stream.strided.scatter [tilespmem:s11], [sflag:$0xF], $0x2000, s21, s20, $0x38;
	[tilespmem:$0x10000] =	vst v63  }
0x12c: {  	_ =	swait.ge [sflag:s5], $0x2000  }
0x12d: {  	[sflag:s5] =	ssyncset.done $0x0  }
0x12e: {  	s28 =	simm.s32 $0xE040;
	[sflag:s5] =	ssyncadd.s32 $0xFFFFE000  }
0x12f: {  	v0 =	vld [tilespmem:s28+$0x30]  }
0x130: {  	v1 =	vld [tilespmem:s28+$0xFFFFFFD0]  }
0x131: {  	v2 =	vld [tilespmem:s28+$0xFFFFFFE0]  }
0x132: {  	v4 =	vld [tilespmem:s28+$0x0]  }
0x133: {  	v3 =	vld [tilespmem:s28+$0xFFFFFFF0];
	_ =	sdelay $0x1  }
0x134: {  	v5 =	vld [tilespmem:s28+$0x10];
	v0 =	vmul.f32 $9.999999770e-03, v0  }
0x135: {  	v6 =	vld [tilespmem:s28+$0x20];
	v1 =	vmul.f32 $9.999999770e-03, v1;
	v2 =	vmul.f32 $9.999999770e-03, v2  }
0x136: {  	s10 =	simm.s32 $0xE0C0;
	v7 =	vld [tilespmem:s28+$0xFFFFFFC0];
	v4 =	vmul.f32 $9.999999770e-03, v4;
	v0 =	vmul.f32 $1.000000000e+02, v0  }
0x137: {  	v8 =	vld [tilespmem:s10+$0x30];
	v3 =	vmul.f32 $9.999999770e-03, v3;
	v1 =	vmul.f32 $1.000000000e+02, v1  }
0x138: {  	v9 =	vld [tilespmem:s10+$0xFFFFFFD0];
	v10 =	vmul.f32 $1.000000000e+02, v2;
	v4 =	vmul.f32 $1.000000000e+02, v4;
	[tilespmem:s28+$0x30] =	vst v0  }
0x139: {  	v11 =	vld [tilespmem:s10+$0xFFFFFFE0];
	[tilespmem:s28+$0xFFFFFFD0] =	vst v1;
	v0 =	vmul.f32 $1.000000000e+02, v3;
	v3 =	vmul.f32 $9.999999770e-03, v5  }
0x13a: {  	v2 =	vld [tilespmem:s10+$0xFFFFFFF0];
	[tilespmem:s28+$0xFFFFFFE0] =	vst v10;
	v5 =	vmul.f32 $9.999999770e-03, v6  }
0x13b: {  	v7 =	vmul.f32 $9.999999770e-03, v7;
	v1 =	vld [tilespmem:s10+$0x0];
	[tilespmem:s28+$0x0] =	vst v4;
	v10 =	vmul.f32 $1.000000000e+02, v3  }
0x13c: {  	v12 =	vmul.f32 $9.999999770e-03, v8;
	[tilespmem:s28+$0xFFFFFFF0] =	vst v0;
	v0 =	vld [tilespmem:s10+$0x10];
	v13 =	vmul.f32 $1.000000000e+02, v5  }
0x13d: {  	v7 =	vmul.f32 $1.000000000e+02, v7;
	v6 =	vmul.f32 $9.999999770e-03, v9;
	v3 =	vld [tilespmem:s10+$0x20];
	[tilespmem:s28+$0x10] =	vst v10  }
0x13e: {  	s29 =	simm.s32 $0xE140;
	s11 =	simm.s32 $0x80;
	v8 =	vmul.f32 $9.999999770e-03, v11;
	v4 =	vld [tilespmem:s10+$0xFFFFFFC0];
	v5 =	vmul.f32 $1.000000000e+02, v12;
	[tilespmem:s28+$0x20] =	vst v13  }
.LBB2_16:
0x13f: {  	v9 =	vld [tilespmem:s29+$0x30];
	s11 =	sadd.s32 $0x80, s11;
	v6 =	vmul.f32 $1.000000000e+02, v6;
	v2 =	vmul.f32 $9.999999770e-03, v2;
	[tilespmem:s28+$0xFFFFFFC0] =	vst v7;
	s28 =	smov.u32 s10;
	s10 =	smov.u32 s29  }
0x140: {  	v7 =	vld [tilespmem:s29+$0xFFFFFFD0];
	p0 =	slt.u32 s11, $0x1F80;
	v8 =	vmul.f32 $1.000000000e+02, v8;
	v1 =	vmul.f32 $9.999999770e-03, v1;
	[tilespmem:s28+$0x30] =	vst v5  }
0x141: {  	v5 =	vld [tilespmem:s29+$0xFFFFFFE0];
	[tilespmem:s28+$0xFFFFFFD0] =	vst v6;
	v6 =	vmul.f32 $1.000000000e+02, v2;
	v0 =	vmul.f32 $9.999999770e-03, v0  }
.Ltmp7:
0x142: {  	v2 =	vld [tilespmem:s29+$0xFFFFFFF0];
	[tilespmem:s28+$0xFFFFFFE0] =	vst v8;
	v8 =	vmul.f32 $1.000000000e+02, v1;
	v3 =	vmul.f32 $9.999999770e-03, v3;
	(pc) =	sbr.rel @p0 .LBB2_16-.Ltmp7, $4  }
0x143: {  	v1 =	vld [tilespmem:s29+$0x0];
	v4 =	vmul.f32 $9.999999770e-03, v4;
	[tilespmem:s28+$0xFFFFFFF0] =	vst v6;
	v10 =	vmul.f32 $1.000000000e+02, v0  }
0x144: {  	v0 =	vld [tilespmem:s29+$0x10];
	v9 =	vmul.f32 $9.999999770e-03, v9;
	[tilespmem:s28+$0x0] =	vst v8;
	v11 =	vmul.f32 $1.000000000e+02, v3  }
0x145: {  	v6 =	vmul.f32 $9.999999770e-03, v7;
	v3 =	vld [tilespmem:s29+$0x20];
	v7 =	vmul.f32 $1.000000000e+02, v4;
	[tilespmem:s28+$0x10] =	vst v10  }
0x146: {  	s29 =	sadd.s32 $0x80, s29;
	v4 =	vld [tilespmem:s10+$0xFFFFFFC0];
	v8 =	vmul.f32 $9.999999770e-03, v5;
	v5 =	vmul.f32 $1.000000000e+02, v9;
	[tilespmem:s28+$0x20] =	vst v11  }
0x147: {  	v6 =	vmul.f32 $1.000000000e+02, v6;
	v2 =	vmul.f32 $9.999999770e-03, v2;
	[tilespmem:s28+$0xFFFFFFC0] =	vst v7  }
0x148: {  	v61 =	vmul.f32 $1.000000000e+02, v8;
	v1 =	vmul.f32 $9.999999770e-03, v1;
	[tilespmem:s10+$0x30] =	vst v5  }
0x149: {  	[tilespmem:s10+$0xFFFFFFD0] =	vst v6;
	v2 =	vmul.f32 $1.000000000e+02, v2;
	v0 =	vmul.f32 $9.999999770e-03, v0  }
0x14a: {  	[tilespmem:s10+$0xFFFFFFE0] =	vst v61;
	v1 =	vmul.f32 $1.000000000e+02, v1;
	v3 =	vmul.f32 $9.999999770e-03, v3  }
0x14b: {  	v4 =	vmul.f32 $9.999999770e-03, v4;
	[tilespmem:s10+$0xFFFFFFF0] =	vst v2;
	v0 =	vmul.f32 $1.000000000e+02, v0  }
0x14c: {  	[tilespmem:s10+$0x0] =	vst v1;
	v62 =	vmul.f32 $1.000000000e+02, v3  }
0x14d: {  	v63 =	vmul.f32 $1.000000000e+02, v4;
	[tilespmem:s10+$0x10] =	vst v0  }
0x14e: {  	[tilespmem:s10+$0x20] =	vst v62  }
0x14f: {  	s28 =	simm.s32 $0xE000;
	[tilespmem:s10+$0xFFFFFFC0] =	vst v63  }
0x150: {  	[hbm4b:s18+s20] =	stream.strided.scatter [tilespmem:s28], [sflag:$0x10], $0x2000, s21, s20, $0x38;
	[tilespmem:$0x10000] =	vst v63  }
0x151: {  	_ =	swait.ge [sflag:s6], $0x2000  }
0x152: {  	[sflag:s6] =	ssyncset.done $0x0  }
0x153: {  	[sflag:s6] =	ssyncadd.s32 $0xFFFFE000  }
0x154: {  	_ =	swait.ge [sflag:s7], $0x2000  }
0x155: {  	[sflag:s7] =	ssyncset.done $0x0  }
0x156: {  	[sflag:s7] =	ssyncadd.s32 $0xFFFFE000  }
0x157: {  	_ =	swait.ge [sflag:s22], $0x2000  }
0x158: {  	[sflag:s22] =	ssyncset.done $0x0  }
0x159: {  	[sflag:s22] =	ssyncadd.s32 $0xFFFFE000  }
0x15a: {  	_ =	swait.ge [sflag:s23], $0x2000  }
0x15b: {  	[sflag:s23] =	ssyncset.done $0x0  }
0x15c: {  	[sflag:s23] =	ssyncadd.s32 $0xFFFFE000  }
0x15d: {  	_ =	swait.ge [sflag:s8], $0x2000  }
0x15e: {  	[sflag:s8] =	ssyncset.done $0x0  }
0x15f: {  	[sflag:s8] =	ssyncadd.s32 $0xFFFFE000  }
0x160: {  	_ =	swait.ge [sflag:s24], $0x2000  }
0x161: {  	[sflag:s24] =	ssyncset.done $0x0  }
0x162: {  	s26 =	sadd.s32 $0x1, s26;
	[sflag:s24] =	ssyncadd.s32 $0xFFFFE000  }
0x163: {  	p0 =	sne.s32 s26, s19;
	_ =	swait.ge [sflag:s9], $0x2000  }
.Ltmp8:
0x164: {  	[sflag:s9] =	ssyncset.done $0x0;
	(pc) =	sbr.rel @p0 .LBB2_1-.Ltmp8, $4  }
0x165: {  	[sflag:s9] =	ssyncadd.s32 $0xFFFFE000  }
0x166: {  	_ =	swait.ge [sflag:s25], $0x2000  }
0x167: {  	[sflag:s25] =	ssyncset.done $0x0  }
0x168: {  	[sflag:s25] =	ssyncadd.s32 $0xFFFFE000  }
0x169: {  	_ =	sfence.sel $0x180000  }
0x16a: {  	[bflag:$0x0] =	sbarrier.arrive $0xFFFF  }
0x16b: {  	_ =	strace $0x90000047  }
0x16c: {  	s0 =	stileid.u32;
	[bflag:$0x2] =	sbarrier.arrive $0xFFFF  }
0x16d: {  	p0 =	sne.s32 s0, $0x0;
	s0 =	rddreg [dreg:$0x2]  }
0x16e: {  	s0 =	sadd.s32 @!p0 $0x100000, s0  }
0x16f: {  	[sflag:s0] =	ssyncadd.tile.s32 @!p0 $0x1;
	_ =	shalt  }
.Lfunc_end2:
_tile_overlayer_lowered:
.L_overlay_start_2:
0x170: {  	(tag) =	ssettag $0x2  }
0x171: {  	s0 =	rddreg [dreg:$0x0];
	s2 =	stileid.u32  }
0x172: {  	s1 =	rddreg [dreg:$0x1];
	p0 =	sne.s32 s2, $0x0  }
0x173: {  	s3 =	rddreg [dreg:$0x2];
	[bflag:$0x3] =	sbarrier.arrive $0xFFFF;
	s2 =	simm.s32 @!p0 $0x1C11  }
0x174: {  	[timem:s3], [sflag:s2] =	dma.local @!p0 [hbm:s0], s1  }
0x175: {  	s0 =	simm.s32 @!p0 $0x11  }
0x176: {  	_ =	swait.ge @!p0 [sflag:s0], s1  }
0x177: {  	s1 =	ssub.s32 @!p0 $0x0, s1;
	[sflag:s0] =	ssyncset.done @!p0 $0x0  }
0x178: {  	[sflag:s0] =	ssyncadd.s32 @!p0 s1  }
0x179: {  	[bflag:$0x3] =	sbarrier.arrive $0xFFFF  }
0x17a: {  	_ =	shalt  }

</sc_bundles>
